<compile_context>
chip_gen: v7x
topology: tpu7x:2x2x1
jax: 0.10.2.dev20260603
libtpu: 0.0.44.dev20260713+nightly
codegen_flags: <defaults>
</compile_context>

<pallas_src>
import functools

import jax
import jax.numpy as jnp
from jax import lax
from jax.experimental import pallas as pl
from jax.experimental.pallas import tpu as pltpu
from jax.experimental.pallas import tpu_sc as plsc

N = 10000
E = 320000
D = 128
DH = D // 2

NC = 2
NS = 16
B = 128
NB = E // B
NIT = (NB + NS - 1) // NS
NPAD = 10112
SL = NPAD // NS
DW = 8

_CHUNKS = [(0, 128), (128, 128), (256, 128), (384, 128), (512, 120)]

_sc_mesh = plsc.VectorSubcoreMesh(core_axis_name="c", subcore_axis_name="s")


@functools.partial(
    pl.kernel,
    out_type=[
        jax.ShapeDtypeStruct((NC, NPAD, DH), jnp.float32),
        jax.ShapeDtypeStruct((NPAD, DW), jnp.float32),
    ],
    mesh=_sc_mesh,
    compiler_params=pltpu.CompilerParams(use_tc_tiling_on_sc=False),
    scratch_types=[
        pltpu.VMEM((B,), jnp.int32),
        pltpu.VMEM((B,), jnp.int32),
        pltpu.VMEM((B, DH), jnp.float32),
        pltpu.VMEM((B, DW), jnp.float32),
        pltpu.VMEM((B, DW), jnp.float32),
        pltpu.VMEM_SHARED((NPAD, DH), jnp.float32),
        pltpu.VMEM_SHARED((NPAD, DW), jnp.float32),
        pltpu.SemaphoreType.DMA,
    ],
)
def _sc_aggregate(xlo_hbm, xhi_hbm, src_hbm, dst_hbm, zrow_hbm, zdeg_hbm,
                  ones_hbm,
                  agg_out, deg_out,
                  sidx, didx, rows, ones_v, degst, agg_sh, deg_sh, sem):
    c = lax.axis_index("c")
    s = lax.axis_index("s")

    pltpu.sync_copy(zrow_hbm, rows)
    pltpu.sync_copy(zdeg_hbm, degst)
    for off, sz in _CHUNKS:
        pltpu.sync_copy(rows.at[pl.ds(0, sz)],
                        agg_sh.at[pl.ds(s * SL + off, sz)])
    pltpu.sync_copy(ones_hbm, ones_v)

    @pl.when(c == 1)
    def _():
        for off, sz in _CHUNKS:
            pltpu.sync_copy(degst.at[pl.ds(0, sz)],
                            deg_sh.at[pl.ds(s * SL + off, sz)])

    plsc.subcore_barrier()

    nit = lax.select(s < NB - (NIT - 1) * NS, NIT, NIT - 1)

    def make_body(x_hbm, with_deg):
        def body(i, carry):
            off = (s + i * NS) * B
            pltpu.sync_copy(src_hbm.at[pl.ds(off, B)], sidx)
            pltpu.sync_copy(dst_hbm.at[pl.ds(off, B)], didx)
            pltpu.async_copy(x_hbm.at[sidx], rows, sem).wait()
            pltpu.sync_copy(rows, agg_sh.at[didx], add=True)
            if with_deg:
                pltpu.sync_copy(ones_v, deg_sh.at[didx], add=True)
            return carry
        return body

    @pl.when(c == 0)
    def _():
        lax.fori_loop(0, nit, make_body(xlo_hbm, False), 0)

    @pl.when(c == 1)
    def _():
        lax.fori_loop(0, nit, make_body(xhi_hbm, True), 0)

    plsc.subcore_barrier()

    for off, sz in _CHUNKS:
        pltpu.sync_copy(agg_sh.at[pl.ds(s * SL + off, sz)], rows.at[pl.ds(0, sz)])
        pltpu.sync_copy(rows.at[pl.ds(0, sz)],
                        agg_out.at[c, pl.ds(s * SL + off, sz)])

    @pl.when(c == 1)
    def _():
        for off, sz in _CHUNKS:
            pltpu.sync_copy(deg_sh.at[pl.ds(s * SL + off, sz)],
                            degst.at[pl.ds(0, sz)])
            pltpu.sync_copy(degst.at[pl.ds(0, sz)],
                            deg_out.at[pl.ds(s * SL + off, sz)])


BLK = 1000


def _tc_combine_body(x_ref, alo_ref, ahi_ref, d_ref,
                     ws_ref, wn_lo_ref, wn_hi_ref, b_ref, o_ref):
    recip = 1.0 / jnp.maximum(d_ref[:, 0:1], 1.0)
    o_ref[...] = (
        jnp.dot(x_ref[...], ws_ref[...], preferred_element_type=jnp.float32)
        + jnp.dot(alo_ref[...] * recip, wn_lo_ref[...],
                  preferred_element_type=jnp.float32)
        + jnp.dot(ahi_ref[...] * recip, wn_hi_ref[...],
                  preferred_element_type=jnp.float32)
        + b_ref[...]
    )


def _tc_combine(x, a_lo, a_hi, degf, W_self, Wn_lo, Wn_hi, b2d):
    grid = (N // BLK,)
    row_spec = pl.BlockSpec((BLK, D), lambda i: (i, 0))
    half_spec = pl.BlockSpec((BLK, DH), lambda i: (i, 0))
    deg_spec = pl.BlockSpec((BLK, DW), lambda i: (i, 0))
    w_spec = pl.BlockSpec((D, D), lambda i: (0, 0))
    wh_spec = pl.BlockSpec((DH, D), lambda i: (0, 0))
    b_spec = pl.BlockSpec((1, D), lambda i: (0, 0))
    return pl.pallas_call(
        _tc_combine_body,
        grid=grid,
        in_specs=[row_spec, half_spec, half_spec, deg_spec,
                  w_spec, wh_spec, wh_spec, b_spec],
        out_specs=row_spec,
        out_shape=jax.ShapeDtypeStruct((N, D), jnp.float32),
    )(x, a_lo, a_hi, degf, W_self, Wn_lo, Wn_hi, b2d)


def kernel(x, edge_index, W_self, W_neigh, b_neigh):
    src = edge_index[0]
    dst = edge_index[1]
    x_lo = x[:, :DH]
    x_hi = x[:, DH:]
    zrow = jnp.zeros((B, DH), jnp.float32)
    zdeg = jnp.zeros((B, DW), jnp.float32)
    ones = jnp.ones((B, DW), jnp.float32)
    agg, deg = _sc_aggregate(x_lo, x_hi, src, dst, zrow, zdeg, ones)
    out = _tc_combine(
        x,
        agg[0, :N], agg[1, :N],
        deg[:N],
        W_self, W_neigh[:DH], W_neigh[DH:],
        b_neigh.reshape(1, D),
    )
    return out

# --- scband reference (transcript-rebuilt; emitter-appended) ---
"""Pipeline reference for scband-gn-55714315764196 (READ-ONLY COPY).

The authoritative reference and input builder live on the scoring server;
editing this copy changes nothing except your own understanding.
"""

import jax, jax.numpy as jnp
import numpy as np

N = 10000
E = 320000
D_IN = 128
D_OUT = 128


def setup_inputs(seed: int = 0) -> dict:
    key = jax.random.key(seed)
    k1, k2, k3, k4 = jax.random.split(key, 4)
    x = jax.random.normal(k1, (N, D_IN), dtype=jnp.float32)
    edge_index = jax.random.randint(k2, (2, E), 0, N, dtype=jnp.int32)
    # DGL SAGEConv (mean aggregator) parameters: fc_self, fc_neigh (bias in fc_neigh)
    scale_self = 1.0 / np.sqrt(D_IN)
    W_self = jax.random.uniform(k3, (D_IN, D_OUT), dtype=jnp.float32, minval=-scale_self, maxval=scale_self)
    W_neigh = jax.random.uniform(k4, (D_IN, D_OUT), dtype=jnp.float32, minval=-scale_self, maxval=scale_self)
    b_neigh = jnp.zeros((D_OUT,), dtype=jnp.float32)
    return {"x": x, "edge_index": edge_index, "W_self": W_self, "W_neigh": W_neigh, "b_neigh": b_neigh}


def reference(x, edge_index, W_self, W_neigh, b_neigh):
    # GN.forward: x = g.ndata['h']; x = SAGEConv(g, x)  (aggregator_type='mean')
    src = edge_index[0]
    dst = edge_index[1]
    # message: gather source node features along each edge
    msgs = jnp.take(x, src, axis=0)                       # [E, D_IN]  (gather)
    # mean aggregation over incoming edges per destination node
    agg = jax.ops.segment_sum(msgs, dst, num_segments=N)  # [N, D_IN]  (scatter-add)
    deg = jax.ops.segment_sum(jnp.ones((E,), dtype=jnp.float32), dst, num_segments=N)
    h_neigh = agg / jnp.maximum(deg, 1.0)[:, None]
    # rst = fc_self(h_self) + fc_neigh(h_neigh) + bias
    out = x @ W_self + h_neigh @ W_neigh + b_neigh
    return out

if __name__ == "__main__":
    import jax
    _d = setup_inputs()
    print(jax.jit(kernel)(*tuple(_d.values())))

</pallas_src>

<mosaic_0001>
#map = affine_map<(d0, d1) -> (0, 0)>
#map1 = affine_map<(d0, d1) -> (0)>
#map2 = affine_map<(d0, d1) -> (0, 0, 0)>
module attributes {stable_mosaic.version = 14 : i64} {
  func.func @_sc_aggregate(%arg0: i32, %arg1: i32, %arg2: memref<10000x64xf32, #tpu.memory_space<hbm>>, %arg3: memref<10000x64xf32, #tpu.memory_space<hbm>>, %arg4: memref<320000xi32, #tpu.memory_space<hbm>>, %arg5: memref<320000xi32, #tpu.memory_space<hbm>>, %arg6: memref<128x64xf32, #tpu.memory_space<hbm>>, %arg7: memref<128x8xf32, #tpu.memory_space<hbm>>, %arg8: memref<128x8xf32, #tpu.memory_space<hbm>>, %arg9: memref<2x10112x64xf32, #tpu.memory_space<hbm>>, %arg10: memref<10112x8xf32, #tpu.memory_space<hbm>>, %arg11: memref<128xi32, #tpu.memory_space<vmem>>, %arg12: memref<128xi32, #tpu.memory_space<vmem>>, %arg13: memref<128x64xf32, #tpu.memory_space<vmem>>, %arg14: memref<128x8xf32, #tpu.memory_space<vmem>>, %arg15: memref<128x8xf32, #tpu.memory_space<vmem>>, %arg16: memref<10112x64xf32, #tpu.memory_space<vmem_shared>>, %arg17: memref<10112x8xf32, #tpu.memory_space<vmem_shared>>, %arg18: memref<!tpu.dma_semaphore, #tpu.memory_space<semaphore_mem>>) attributes {dimension_semantics = [#tpu.dimension_semantics<core_parallel>, #tpu.dimension_semantics<subcore_parallel>], iteration_bounds = array<i64: 2, 16>, scalar_prefetch = 0 : i64, scratch_operands = 8 : i64, tpu.core_type = #tpu.core_type<sc_vector_subcore>, window_params = [{transform_indices = #map}, {transform_indices = #map}, {transform_indices = #map1}, {transform_indices = #map1}, {transform_indices = #map}, {transform_indices = #map}, {transform_indices = #map}, {transform_indices = #map2}, {transform_indices = #map}]} {
    "tpu.region"() ({
      %run_scoped3A = tpu.sem_alloc : memref<!tpu.dma_semaphore, #tpu.memory_space<semaphore_mem>>
      tpu.enqueue_dma source(%arg6 : memref<128x64xf32, #tpu.memory_space<hbm>>) target(%arg13 : memref<128x64xf32, #tpu.memory_space<vmem>>) target_semaphore(%run_scoped3A : memref<!tpu.dma_semaphore, #tpu.memory_space<semaphore_mem>>)
      tpu.wait_dma2 semaphore(%run_scoped3A : memref<!tpu.dma_semaphore, #tpu.memory_space<semaphore_mem>>) src(%arg6 : memref<128x64xf32, #tpu.memory_space<hbm>>) dst(%arg13 : memref<128x64xf32, #tpu.memory_space<vmem>>)
      tpu.yield
    }) : () -> ()
    "tpu.region"() ({
      %run_scoped3A = tpu.sem_alloc : memref<!tpu.dma_semaphore, #tpu.memory_space<semaphore_mem>>
      tpu.enqueue_dma source(%arg7 : memref<128x8xf32, #tpu.memory_space<hbm>>) target(%arg15 : memref<128x8xf32, #tpu.memory_space<vmem>>) target_semaphore(%run_scoped3A : memref<!tpu.dma_semaphore, #tpu.memory_space<semaphore_mem>>)
      tpu.wait_dma2 semaphore(%run_scoped3A : memref<!tpu.dma_semaphore, #tpu.memory_space<semaphore_mem>>) src(%arg7 : memref<128x8xf32, #tpu.memory_space<hbm>>) dst(%arg15 : memref<128x8xf32, #tpu.memory_space<vmem>>)
      tpu.yield
    }) : () -> ()
    %mul3A = arith.constant 632 : i32
    %mul3A_0 = arith.muli %arg1, %mul3A : i32
    %add3A = arith.constant 0 : i32
    %add3A_1 = arith.addi %mul3A_0, %add3A : i32
    "tpu.region"() ({
      %run_scoped3A = tpu.sem_alloc : memref<!tpu.dma_semaphore, #tpu.memory_space<semaphore_mem>>
      %dma_start3A = arith.constant 0 : i32
      %dma_start3A_79 = arith.constant 0 : i32
      %dma_start3A_80 = tpu.memref_slice %arg13[%dma_start3A, %dma_start3A_79] : memref<128x64xf32, #tpu.memory_space<vmem>> -> memref<128x64xf32, #tpu.memory_space<vmem>>
      %dma_start3A_81 = arith.constant 0 : i32
      %dma_start3A_82 = tpu.memref_slice %arg16[%add3A_1, %dma_start3A_81] : memref<10112x64xf32, #tpu.memory_space<vmem_shared>> -> memref<128x64xf32, #tpu.memory_space<vmem_shared>>
      %dma_start3A_83 = arith.constant 0 : i32
      %dma_start3A_84 = tpu.memref_slice %arg16[%add3A_1, %dma_start3A_83] : memref<10112x64xf32, #tpu.memory_space<vmem_shared>> -> memref<128x64xf32, #tpu.memory_space<vmem_shared>>
      %dma_start3A_85 = arith.constant 0 : i32
      %dma_start3A_86 = arith.constant 0 : i32
      %dma_start3A_87 = tpu.memref_slice %arg13[%dma_start3A_85, %dma_start3A_86] : memref<128x64xf32, #tpu.memory_space<vmem>> -> memref<128x64xf32, #tpu.memory_space<vmem>>
      tpu.enqueue_dma source(%dma_start3A_87 : memref<128x64xf32, #tpu.memory_space<vmem>>) target(%dma_start3A_84 : memref<128x64xf32, #tpu.memory_space<vmem_shared>>) target_semaphore(%run_scoped3A : memref<!tpu.dma_semaphore, #tpu.memory_space<semaphore_mem>>)
      %dma_wait3A = arith.constant 0 : i32
      %dma_wait3A_88 = arith.constant 0 : i32
      %dma_wait3A_89 = tpu.memref_slice %arg13[%dma_wait3A, %dma_wait3A_88] : memref<128x64xf32, #tpu.memory_space<vmem>> -> memref<128x64xf32, #tpu.memory_space<vmem>>
      %dma_wait3A_90 = arith.constant 0 : i32
      %dma_wait3A_91 = tpu.memref_slice %arg16[%add3A_1, %dma_wait3A_90] : memref<10112x64xf32, #tpu.memory_space<vmem_shared>> -> memref<128x64xf32, #tpu.memory_space<vmem_shared>>
      %dma_wait3A_92 = arith.constant 0 : i32
      %dma_wait3A_93 = tpu.memref_slice %arg16[%add3A_1, %dma_wait3A_92] : memref<10112x64xf32, #tpu.memory_space<vmem_shared>> -> memref<128x64xf32, #tpu.memory_space<vmem_shared>>
      %dma_wait3A_94 = arith.constant 0 : i32
      %dma_wait3A_95 = arith.constant 0 : i32
      %dma_wait3A_96 = tpu.memref_slice %arg13[%dma_wait3A_94, %dma_wait3A_95] : memref<128x64xf32, #tpu.memory_space<vmem>> -> memref<128x64xf32, #tpu.memory_space<vmem>>
      tpu.wait_dma2 semaphore(%run_scoped3A : memref<!tpu.dma_semaphore, #tpu.memory_space<semaphore_mem>>) src(%dma_wait3A_96 : memref<128x64xf32, #tpu.memory_space<vmem>>) dst(%dma_wait3A_93 : memref<128x64xf32, #tpu.memory_space<vmem_shared>>)
      tpu.yield
    }) : () -> ()
    %mul3A_2 = arith.constant 632 : i32
    %mul3A_3 = arith.muli %arg1, %mul3A_2 : i32
    %add3A_4 = arith.constant 128 : i32
    %add3A_5 = arith.addi %mul3A_3, %add3A_4 : i32
    "tpu.region"() ({
      %run_scoped3A = tpu.sem_alloc : memref<!tpu.dma_semaphore, #tpu.memory_space<semaphore_mem>>
      %dma_start3A = arith.constant 0 : i32
      %dma_start3A_79 = arith.constant 0 : i32
      %dma_start3A_80 = tpu.memref_slice %arg13[%dma_start3A, %dma_start3A_79] : memref<128x64xf32, #tpu.memory_space<vmem>> -> memref<128x64xf32, #tpu.memory_space<vmem>>
      %dma_start3A_81 = arith.constant 0 : i32
      %dma_start3A_82 = tpu.memref_slice %arg16[%add3A_5, %dma_start3A_81] : memref<10112x64xf32, #tpu.memory_space<vmem_shared>> -> memref<128x64xf32, #tpu.memory_space<vmem_shared>>
      %dma_start3A_83 = arith.constant 0 : i32
      %dma_start3A_84 = tpu.memref_slice %arg16[%add3A_5, %dma_start3A_83] : memref<10112x64xf32, #tpu.memory_space<vmem_shared>> -> memref<128x64xf32, #tpu.memory_space<vmem_shared>>
      %dma_start3A_85 = arith.constant 0 : i32
      %dma_start3A_86 = arith.constant 0 : i32
      %dma_start3A_87 = tpu.memref_slice %arg13[%dma_start3A_85, %dma_start3A_86] : memref<128x64xf32, #tpu.memory_space<vmem>> -> memref<128x64xf32, #tpu.memory_space<vmem>>
      tpu.enqueue_dma source(%dma_start3A_87 : memref<128x64xf32, #tpu.memory_space<vmem>>) target(%dma_start3A_84 : memref<128x64xf32, #tpu.memory_space<vmem_shared>>) target_semaphore(%run_scoped3A : memref<!tpu.dma_semaphore, #tpu.memory_space<semaphore_mem>>)
      %dma_wait3A = arith.constant 0 : i32
      %dma_wait3A_88 = arith.constant 0 : i32
      %dma_wait3A_89 = tpu.memref_slice %arg13[%dma_wait3A, %dma_wait3A_88] : memref<128x64xf32, #tpu.memory_space<vmem>> -> memref<128x64xf32, #tpu.memory_space<vmem>>
      %dma_wait3A_90 = arith.constant 0 : i32
      %dma_wait3A_91 = tpu.memref_slice %arg16[%add3A_5, %dma_wait3A_90] : memref<10112x64xf32, #tpu.memory_space<vmem_shared>> -> memref<128x64xf32, #tpu.memory_space<vmem_shared>>
      %dma_wait3A_92 = arith.constant 0 : i32
      %dma_wait3A_93 = tpu.memref_slice %arg16[%add3A_5, %dma_wait3A_92] : memref<10112x64xf32, #tpu.memory_space<vmem_shared>> -> memref<128x64xf32, #tpu.memory_space<vmem_shared>>
      %dma_wait3A_94 = arith.constant 0 : i32
      %dma_wait3A_95 = arith.constant 0 : i32
      %dma_wait3A_96 = tpu.memref_slice %arg13[%dma_wait3A_94, %dma_wait3A_95] : memref<128x64xf32, #tpu.memory_space<vmem>> -> memref<128x64xf32, #tpu.memory_space<vmem>>
      tpu.wait_dma2 semaphore(%run_scoped3A : memref<!tpu.dma_semaphore, #tpu.memory_space<semaphore_mem>>) src(%dma_wait3A_96 : memref<128x64xf32, #tpu.memory_space<vmem>>) dst(%dma_wait3A_93 : memref<128x64xf32, #tpu.memory_space<vmem_shared>>)
      tpu.yield
    }) : () -> ()
    %mul3A_6 = arith.constant 632 : i32
    %mul3A_7 = arith.muli %arg1, %mul3A_6 : i32
    %add3A_8 = arith.constant 256 : i32
    %add3A_9 = arith.addi %mul3A_7, %add3A_8 : i32
    "tpu.region"() ({
      %run_scoped3A = tpu.sem_alloc : memref<!tpu.dma_semaphore, #tpu.memory_space<semaphore_mem>>
      %dma_start3A = arith.constant 0 : i32
      %dma_start3A_79 = arith.constant 0 : i32
      %dma_start3A_80 = tpu.memref_slice %arg13[%dma_start3A, %dma_start3A_79] : memref<128x64xf32, #tpu.memory_space<vmem>> -> memref<128x64xf32, #tpu.memory_space<vmem>>
      %dma_start3A_81 = arith.constant 0 : i32
      %dma_start3A_82 = tpu.memref_slice %arg16[%add3A_9, %dma_start3A_81] : memref<10112x64xf32, #tpu.memory_space<vmem_shared>> -> memref<128x64xf32, #tpu.memory_space<vmem_shared>>
      %dma_start3A_83 = arith.constant 0 : i32
      %dma_start3A_84 = tpu.memref_slice %arg16[%add3A_9, %dma_start3A_83] : memref<10112x64xf32, #tpu.memory_space<vmem_shared>> -> memref<128x64xf32, #tpu.memory_space<vmem_shared>>
      %dma_start3A_85 = arith.constant 0 : i32
      %dma_start3A_86 = arith.constant 0 : i32
      %dma_start3A_87 = tpu.memref_slice %arg13[%dma_start3A_85, %dma_start3A_86] : memref<128x64xf32, #tpu.memory_space<vmem>> -> memref<128x64xf32, #tpu.memory_space<vmem>>
      tpu.enqueue_dma source(%dma_start3A_87 : memref<128x64xf32, #tpu.memory_space<vmem>>) target(%dma_start3A_84 : memref<128x64xf32, #tpu.memory_space<vmem_shared>>) target_semaphore(%run_scoped3A : memref<!tpu.dma_semaphore, #tpu.memory_space<semaphore_mem>>)
      %dma_wait3A = arith.constant 0 : i32
      %dma_wait3A_88 = arith.constant 0 : i32
      %dma_wait3A_89 = tpu.memref_slice %arg13[%dma_wait3A, %dma_wait3A_88] : memref<128x64xf32, #tpu.memory_space<vmem>> -> memref<128x64xf32, #tpu.memory_space<vmem>>
      %dma_wait3A_90 = arith.constant 0 : i32
      %dma_wait3A_91 = tpu.memref_slice %arg16[%add3A_9, %dma_wait3A_90] : memref<10112x64xf32, #tpu.memory_space<vmem_shared>> -> memref<128x64xf32, #tpu.memory_space<vmem_shared>>
      %dma_wait3A_92 = arith.constant 0 : i32
      %dma_wait3A_93 = tpu.memref_slice %arg16[%add3A_9, %dma_wait3A_92] : memref<10112x64xf32, #tpu.memory_space<vmem_shared>> -> memref<128x64xf32, #tpu.memory_space<vmem_shared>>
      %dma_wait3A_94 = arith.constant 0 : i32
      %dma_wait3A_95 = arith.constant 0 : i32
      %dma_wait3A_96 = tpu.memref_slice %arg13[%dma_wait3A_94, %dma_wait3A_95] : memref<128x64xf32, #tpu.memory_space<vmem>> -> memref<128x64xf32, #tpu.memory_space<vmem>>
      tpu.wait_dma2 semaphore(%run_scoped3A : memref<!tpu.dma_semaphore, #tpu.memory_space<semaphore_mem>>) src(%dma_wait3A_96 : memref<128x64xf32, #tpu.memory_space<vmem>>) dst(%dma_wait3A_93 : memref<128x64xf32, #tpu.memory_space<vmem_shared>>)
      tpu.yield
    }) : () -> ()
    %mul3A_10 = arith.constant 632 : i32
    %mul3A_11 = arith.muli %arg1, %mul3A_10 : i32
    %add3A_12 = arith.constant 384 : i32
    %add3A_13 = arith.addi %mul3A_11, %add3A_12 : i32
    "tpu.region"() ({
      %run_scoped3A = tpu.sem_alloc : memref<!tpu.dma_semaphore, #tpu.memory_space<semaphore_mem>>
      %dma_start3A = arith.constant 0 : i32
      %dma_start3A_79 = arith.constant 0 : i32
      %dma_start3A_80 = tpu.memref_slice %arg13[%dma_start3A, %dma_start3A_79] : memref<128x64xf32, #tpu.memory_space<vmem>> -> memref<128x64xf32, #tpu.memory_space<vmem>>
      %dma_start3A_81 = arith.constant 0 : i32
      %dma_start3A_82 = tpu.memref_slice %arg16[%add3A_13, %dma_start3A_81] : memref<10112x64xf32, #tpu.memory_space<vmem_shared>> -> memref<128x64xf32, #tpu.memory_space<vmem_shared>>
      %dma_start3A_83 = arith.constant 0 : i32
      %dma_start3A_84 = tpu.memref_slice %arg16[%add3A_13, %dma_start3A_83] : memref<10112x64xf32, #tpu.memory_space<vmem_shared>> -> memref<128x64xf32, #tpu.memory_space<vmem_shared>>
      %dma_start3A_85 = arith.constant 0 : i32
      %dma_start3A_86 = arith.constant 0 : i32
      %dma_start3A_87 = tpu.memref_slice %arg13[%dma_start3A_85, %dma_start3A_86] : memref<128x64xf32, #tpu.memory_space<vmem>> -> memref<128x64xf32, #tpu.memory_space<vmem>>
      tpu.enqueue_dma source(%dma_start3A_87 : memref<128x64xf32, #tpu.memory_space<vmem>>) target(%dma_start3A_84 : memref<128x64xf32, #tpu.memory_space<vmem_shared>>) target_semaphore(%run_scoped3A : memref<!tpu.dma_semaphore, #tpu.memory_space<semaphore_mem>>)
      %dma_wait3A = arith.constant 0 : i32
      %dma_wait3A_88 = arith.constant 0 : i32
      %dma_wait3A_89 = tpu.memref_slice %arg13[%dma_wait3A, %dma_wait3A_88] : memref<128x64xf32, #tpu.memory_space<vmem>> -> memref<128x64xf32, #tpu.memory_space<vmem>>
      %dma_wait3A_90 = arith.constant 0 : i32
      %dma_wait3A_91 = tpu.memref_slice %arg16[%add3A_13, %dma_wait3A_90] : memref<10112x64xf32, #tpu.memory_space<vmem_shared>> -> memref<128x64xf32, #tpu.memory_space<vmem_shared>>
      %dma_wait3A_92 = arith.constant 0 : i32
      %dma_wait3A_93 = tpu.memref_slice %arg16[%add3A_13, %dma_wait3A_92] : memref<10112x64xf32, #tpu.memory_space<vmem_shared>> -> memref<128x64xf32, #tpu.memory_space<vmem_shared>>
      %dma_wait3A_94 = arith.constant 0 : i32
      %dma_wait3A_95 = arith.constant 0 : i32
      %dma_wait3A_96 = tpu.memref_slice %arg13[%dma_wait3A_94, %dma_wait3A_95] : memref<128x64xf32, #tpu.memory_space<vmem>> -> memref<128x64xf32, #tpu.memory_space<vmem>>
      tpu.wait_dma2 semaphore(%run_scoped3A : memref<!tpu.dma_semaphore, #tpu.memory_space<semaphore_mem>>) src(%dma_wait3A_96 : memref<128x64xf32, #tpu.memory_space<vmem>>) dst(%dma_wait3A_93 : memref<128x64xf32, #tpu.memory_space<vmem_shared>>)
      tpu.yield
    }) : () -> ()
    %mul3A_14 = arith.constant 632 : i32
    %mul3A_15 = arith.muli %arg1, %mul3A_14 : i32
    %add3A_16 = arith.constant 512 : i32
    %add3A_17 = arith.addi %mul3A_15, %add3A_16 : i32
    "tpu.region"() ({
      %run_scoped3A = tpu.sem_alloc : memref<!tpu.dma_semaphore, #tpu.memory_space<semaphore_mem>>
      %dma_start3A = arith.constant 0 : i32
      %dma_start3A_79 = arith.constant 0 : i32
      %dma_start3A_80 = tpu.memref_slice %arg13[%dma_start3A, %dma_start3A_79] : memref<128x64xf32, #tpu.memory_space<vmem>> -> memref<120x64xf32, #tpu.memory_space<vmem>>
      %dma_start3A_81 = arith.constant 0 : i32
      %dma_start3A_82 = tpu.memref_slice %arg16[%add3A_17, %dma_start3A_81] : memref<10112x64xf32, #tpu.memory_space<vmem_shared>> -> memref<120x64xf32, #tpu.memory_space<vmem_shared>>
      %dma_start3A_83 = arith.constant 0 : i32
      %dma_start3A_84 = tpu.memref_slice %arg16[%add3A_17, %dma_start3A_83] : memref<10112x64xf32, #tpu.memory_space<vmem_shared>> -> memref<120x64xf32, #tpu.memory_space<vmem_shared>>
      %dma_start3A_85 = arith.constant 0 : i32
      %dma_start3A_86 = arith.constant 0 : i32
      %dma_start3A_87 = tpu.memref_slice %arg13[%dma_start3A_85, %dma_start3A_86] : memref<128x64xf32, #tpu.memory_space<vmem>> -> memref<120x64xf32, #tpu.memory_space<vmem>>
      tpu.enqueue_dma source(%dma_start3A_87 : memref<120x64xf32, #tpu.memory_space<vmem>>) target(%dma_start3A_84 : memref<120x64xf32, #tpu.memory_space<vmem_shared>>) target_semaphore(%run_scoped3A : memref<!tpu.dma_semaphore, #tpu.memory_space<semaphore_mem>>)
      %dma_wait3A = arith.constant 0 : i32
      %dma_wait3A_88 = arith.constant 0 : i32
      %dma_wait3A_89 = tpu.memref_slice %arg13[%dma_wait3A, %dma_wait3A_88] : memref<128x64xf32, #tpu.memory_space<vmem>> -> memref<120x64xf32, #tpu.memory_space<vmem>>
      %dma_wait3A_90 = arith.constant 0 : i32
      %dma_wait3A_91 = tpu.memref_slice %arg16[%add3A_17, %dma_wait3A_90] : memref<10112x64xf32, #tpu.memory_space<vmem_shared>> -> memref<120x64xf32, #tpu.memory_space<vmem_shared>>
      %dma_wait3A_92 = arith.constant 0 : i32
      %dma_wait3A_93 = tpu.memref_slice %arg16[%add3A_17, %dma_wait3A_92] : memref<10112x64xf32, #tpu.memory_space<vmem_shared>> -> memref<120x64xf32, #tpu.memory_space<vmem_shared>>
      %dma_wait3A_94 = arith.constant 0 : i32
      %dma_wait3A_95 = arith.constant 0 : i32
      %dma_wait3A_96 = tpu.memref_slice %arg13[%dma_wait3A_94, %dma_wait3A_95] : memref<128x64xf32, #tpu.memory_space<vmem>> -> memref<120x64xf32, #tpu.memory_space<vmem>>
      tpu.wait_dma2 semaphore(%run_scoped3A : memref<!tpu.dma_semaphore, #tpu.memory_space<semaphore_mem>>) src(%dma_wait3A_96 : memref<120x64xf32, #tpu.memory_space<vmem>>) dst(%dma_wait3A_93 : memref<120x64xf32, #tpu.memory_space<vmem_shared>>)
      tpu.yield
    }) : () -> ()
    "tpu.region"() ({
      %run_scoped3A = tpu.sem_alloc : memref<!tpu.dma_semaphore, #tpu.memory_space<semaphore_mem>>
      tpu.enqueue_dma source(%arg8 : memref<128x8xf32, #tpu.memory_space<hbm>>) target(%arg14 : memref<128x8xf32, #tpu.memory_space<vmem>>) target_semaphore(%run_scoped3A : memref<!tpu.dma_semaphore, #tpu.memory_space<semaphore_mem>>)
      tpu.wait_dma2 semaphore(%run_scoped3A : memref<!tpu.dma_semaphore, #tpu.memory_space<semaphore_mem>>) src(%arg8 : memref<128x8xf32, #tpu.memory_space<hbm>>) dst(%arg14 : memref<128x8xf32, #tpu.memory_space<vmem>>)
      tpu.yield
    }) : () -> ()
    %eq3A = arith.constant 1 : i32
    %eq3A_18 = arith.cmpi eq, %arg0, %eq3A : i32
    %convert_element_type3A = arith.extui %eq3A_18 : i1 to i32
    %cond3A = arith.constant 0 : i32
    %cond3A_19 = arith.cmpi ne, %convert_element_type3A, %cond3A : i32
    scf.if %cond3A_19 {
      %mul3A_79 = arith.constant 632 : i32
      %mul3A_80 = arith.muli %arg1, %mul3A_79 : i32
      %add3A_81 = arith.constant 0 : i32
      %add3A_82 = arith.addi %mul3A_80, %add3A_81 : i32
      "tpu.region"() ({
        %run_scoped3A = tpu.sem_alloc : memref<!tpu.dma_semaphore, #tpu.memory_space<semaphore_mem>>
        %dma_start3A = arith.constant 0 : i32
        %dma_start3A_99 = arith.constant 0 : i32
        %dma_start3A_100 = tpu.memref_slice %arg15[%dma_start3A, %dma_start3A_99] : memref<128x8xf32, #tpu.memory_space<vmem>> -> memref<128x8xf32, #tpu.memory_space<vmem>>
        %dma_start3A_101 = arith.constant 0 : i32
        %dma_start3A_102 = tpu.memref_slice %arg17[%add3A_82, %dma_start3A_101] : memref<10112x8xf32, #tpu.memory_space<vmem_shared>> -> memref<128x8xf32, #tpu.memory_space<vmem_shared>>
        %dma_start3A_103 = arith.constant 0 : i32
        %dma_start3A_104 = tpu.memref_slice %arg17[%add3A_82, %dma_start3A_103] : memref<10112x8xf32, #tpu.memory_space<vmem_shared>> -> memref<128x8xf32, #tpu.memory_space<vmem_shared>>
        %dma_start3A_105 = arith.constant 0 : i32
        %dma_start3A_106 = arith.constant 0 : i32
        %dma_start3A_107 = tpu.memref_slice %arg15[%dma_start3A_105, %dma_start3A_106] : memref<128x8xf32, #tpu.memory_space<vmem>> -> memref<128x8xf32, #tpu.memory_space<vmem>>
        tpu.enqueue_dma source(%dma_start3A_107 : memref<128x8xf32, #tpu.memory_space<vmem>>) target(%dma_start3A_104 : memref<128x8xf32, #tpu.memory_space<vmem_shared>>) target_semaphore(%run_scoped3A : memref<!tpu.dma_semaphore, #tpu.memory_space<semaphore_mem>>)
        %dma_wait3A = arith.constant 0 : i32
        %dma_wait3A_108 = arith.constant 0 : i32
        %dma_wait3A_109 = tpu.memref_slice %arg15[%dma_wait3A, %dma_wait3A_108] : memref<128x8xf32, #tpu.memory_space<vmem>> -> memref<128x8xf32, #tpu.memory_space<vmem>>
        %dma_wait3A_110 = arith.constant 0 : i32
        %dma_wait3A_111 = tpu.memref_slice %arg17[%add3A_82, %dma_wait3A_110] : memref<10112x8xf32, #tpu.memory_space<vmem_shared>> -> memref<128x8xf32, #tpu.memory_space<vmem_shared>>
        %dma_wait3A_112 = arith.constant 0 : i32
        %dma_wait3A_113 = tpu.memref_slice %arg17[%add3A_82, %dma_wait3A_112] : memref<10112x8xf32, #tpu.memory_space<vmem_shared>> -> memref<128x8xf32, #tpu.memory_space<vmem_shared>>
        %dma_wait3A_114 = arith.constant 0 : i32
        %dma_wait3A_115 = arith.constant 0 : i32
        %dma_wait3A_116 = tpu.memref_slice %arg15[%dma_wait3A_114, %dma_wait3A_115] : memref<128x8xf32, #tpu.memory_space<vmem>> -> memref<128x8xf32, #tpu.memory_space<vmem>>
        tpu.wait_dma2 semaphore(%run_scoped3A : memref<!tpu.dma_semaphore, #tpu.memory_space<semaphore_mem>>) src(%dma_wait3A_116 : memref<128x8xf32, #tpu.memory_space<vmem>>) dst(%dma_wait3A_113 : memref<128x8xf32, #tpu.memory_space<vmem_shared>>)
        tpu.yield
      }) : () -> ()
      %mul3A_83 = arith.constant 632 : i32
      %mul3A_84 = arith.muli %arg1, %mul3A_83 : i32
      %add3A_85 = arith.constant 128 : i32
      %add3A_86 = arith.addi %mul3A_84, %add3A_85 : i32
      "tpu.region"() ({
        %run_scoped3A = tpu.sem_alloc : memref<!tpu.dma_semaphore, #tpu.memory_space<semaphore_mem>>
        %dma_start3A = arith.constant 0 : i32
        %dma_start3A_99 = arith.constant 0 : i32
        %dma_start3A_100 = tpu.memref_slice %arg15[%dma_start3A, %dma_start3A_99] : memref<128x8xf32, #tpu.memory_space<vmem>> -> memref<128x8xf32, #tpu.memory_space<vmem>>
        %dma_start3A_101 = arith.constant 0 : i32
        %dma_start3A_102 = tpu.memref_slice %arg17[%add3A_86, %dma_start3A_101] : memref<10112x8xf32, #tpu.memory_space<vmem_shared>> -> memref<128x8xf32, #tpu.memory_space<vmem_shared>>
        %dma_start3A_103 = arith.constant 0 : i32
        %dma_start3A_104 = tpu.memref_slice %arg17[%add3A_86, %dma_start3A_103] : memref<10112x8xf32, #tpu.memory_space<vmem_shared>> -> memref<128x8xf32, #tpu.memory_space<vmem_shared>>
        %dma_start3A_105 = arith.constant 0 : i32
        %dma_start3A_106 = arith.constant 0 : i32
        %dma_start3A_107 = tpu.memref_slice %arg15[%dma_start3A_105, %dma_start3A_106] : memref<128x8xf32, #tpu.memory_space<vmem>> -> memref<128x8xf32, #tpu.memory_space<vmem>>
        tpu.enqueue_dma source(%dma_start3A_107 : memref<128x8xf32, #tpu.memory_space<vmem>>) target(%dma_start3A_104 : memref<128x8xf32, #tpu.memory_space<vmem_shared>>) target_semaphore(%run_scoped3A : memref<!tpu.dma_semaphore, #tpu.memory_space<semaphore_mem>>)
        %dma_wait3A = arith.constant 0 : i32
        %dma_wait3A_108 = arith.constant 0 : i32
        %dma_wait3A_109 = tpu.memref_slice %arg15[%dma_wait3A, %dma_wait3A_108] : memref<128x8xf32, #tpu.memory_space<vmem>> -> memref<128x8xf32, #tpu.memory_space<vmem>>
        %dma_wait3A_110 = arith.constant 0 : i32
        %dma_wait3A_111 = tpu.memref_slice %arg17[%add3A_86, %dma_wait3A_110] : memref<10112x8xf32, #tpu.memory_space<vmem_shared>> -> memref<128x8xf32, #tpu.memory_space<vmem_shared>>
        %dma_wait3A_112 = arith.constant 0 : i32
        %dma_wait3A_113 = tpu.memref_slice %arg17[%add3A_86, %dma_wait3A_112] : memref<10112x8xf32, #tpu.memory_space<vmem_shared>> -> memref<128x8xf32, #tpu.memory_space<vmem_shared>>
        %dma_wait3A_114 = arith.constant 0 : i32
        %dma_wait3A_115 = arith.constant 0 : i32
        %dma_wait3A_116 = tpu.memref_slice %arg15[%dma_wait3A_114, %dma_wait3A_115] : memref<128x8xf32, #tpu.memory_space<vmem>> -> memref<128x8xf32, #tpu.memory_space<vmem>>
        tpu.wait_dma2 semaphore(%run_scoped3A : memref<!tpu.dma_semaphore, #tpu.memory_space<semaphore_mem>>) src(%dma_wait3A_116 : memref<128x8xf32, #tpu.memory_space<vmem>>) dst(%dma_wait3A_113 : memref<128x8xf32, #tpu.memory_space<vmem_shared>>)
        tpu.yield
      }) : () -> ()
      %mul3A_87 = arith.constant 632 : i32
      %mul3A_88 = arith.muli %arg1, %mul3A_87 : i32
      %add3A_89 = arith.constant 256 : i32
      %add3A_90 = arith.addi %mul3A_88, %add3A_89 : i32
      "tpu.region"() ({
        %run_scoped3A = tpu.sem_alloc : memref<!tpu.dma_semaphore, #tpu.memory_space<semaphore_mem>>
        %dma_start3A = arith.constant 0 : i32
        %dma_start3A_99 = arith.constant 0 : i32
        %dma_start3A_100 = tpu.memref_slice %arg15[%dma_start3A, %dma_start3A_99] : memref<128x8xf32, #tpu.memory_space<vmem>> -> memref<128x8xf32, #tpu.memory_space<vmem>>
        %dma_start3A_101 = arith.constant 0 : i32
        %dma_start3A_102 = tpu.memref_slice %arg17[%add3A_90, %dma_start3A_101] : memref<10112x8xf32, #tpu.memory_space<vmem_shared>> -> memref<128x8xf32, #tpu.memory_space<vmem_shared>>
        %dma_start3A_103 = arith.constant 0 : i32
        %dma_start3A_104 = tpu.memref_slice %arg17[%add3A_90, %dma_start3A_103] : memref<10112x8xf32, #tpu.memory_space<vmem_shared>> -> memref<128x8xf32, #tpu.memory_space<vmem_shared>>
        %dma_start3A_105 = arith.constant 0 : i32
        %dma_start3A_106 = arith.constant 0 : i32
        %dma_start3A_107 = tpu.memref_slice %arg15[%dma_start3A_105, %dma_start3A_106] : memref<128x8xf32, #tpu.memory_space<vmem>> -> memref<128x8xf32, #tpu.memory_space<vmem>>
        tpu.enqueue_dma source(%dma_start3A_107 : memref<128x8xf32, #tpu.memory_space<vmem>>) target(%dma_start3A_104 : memref<128x8xf32, #tpu.memory_space<vmem_shared>>) target_semaphore(%run_scoped3A : memref<!tpu.dma_semaphore, #tpu.memory_space<semaphore_mem>>)
        %dma_wait3A = arith.constant 0 : i32
        %dma_wait3A_108 = arith.constant 0 : i32
        %dma_wait3A_109 = tpu.memref_slice %arg15[%dma_wait3A, %dma_wait3A_108] : memref<128x8xf32, #tpu.memory_space<vmem>> -> memref<128x8xf32, #tpu.memory_space<vmem>>
        %dma_wait3A_110 = arith.constant 0 : i32
        %dma_wait3A_111 = tpu.memref_slice %arg17[%add3A_90, %dma_wait3A_110] : memref<10112x8xf32, #tpu.memory_space<vmem_shared>> -> memref<128x8xf32, #tpu.memory_space<vmem_shared>>
        %dma_wait3A_112 = arith.constant 0 : i32
        %dma_wait3A_113 = tpu.memref_slice %arg17[%add3A_90, %dma_wait3A_112] : memref<10112x8xf32, #tpu.memory_space<vmem_shared>> -> memref<128x8xf32, #tpu.memory_space<vmem_shared>>
        %dma_wait3A_114 = arith.constant 0 : i32
        %dma_wait3A_115 = arith.constant 0 : i32
        %dma_wait3A_116 = tpu.memref_slice %arg15[%dma_wait3A_114, %dma_wait3A_115] : memref<128x8xf32, #tpu.memory_space<vmem>> -> memref<128x8xf32, #tpu.memory_space<vmem>>
        tpu.wait_dma2 semaphore(%run_scoped3A : memref<!tpu.dma_semaphore, #tpu.memory_space<semaphore_mem>>) src(%dma_wait3A_116 : memref<128x8xf32, #tpu.memory_space<vmem>>) dst(%dma_wait3A_113 : memref<128x8xf32, #tpu.memory_space<vmem_shared>>)
        tpu.yield
      }) : () -> ()
      %mul3A_91 = arith.constant 632 : i32
      %mul3A_92 = arith.muli %arg1, %mul3A_91 : i32
      %add3A_93 = arith.constant 384 : i32
      %add3A_94 = arith.addi %mul3A_92, %add3A_93 : i32
      "tpu.region"() ({
        %run_scoped3A = tpu.sem_alloc : memref<!tpu.dma_semaphore, #tpu.memory_space<semaphore_mem>>
        %dma_start3A = arith.constant 0 : i32
        %dma_start3A_99 = arith.constant 0 : i32
        %dma_start3A_100 = tpu.memref_slice %arg15[%dma_start3A, %dma_start3A_99] : memref<128x8xf32, #tpu.memory_space<vmem>> -> memref<128x8xf32, #tpu.memory_space<vmem>>
        %dma_start3A_101 = arith.constant 0 : i32
        %dma_start3A_102 = tpu.memref_slice %arg17[%add3A_94, %dma_start3A_101] : memref<10112x8xf32, #tpu.memory_space<vmem_shared>> -> memref<128x8xf32, #tpu.memory_space<vmem_shared>>
        %dma_start3A_103 = arith.constant 0 : i32
        %dma_start3A_104 = tpu.memref_slice %arg17[%add3A_94, %dma_start3A_103] : memref<10112x8xf32, #tpu.memory_space<vmem_shared>> -> memref<128x8xf32, #tpu.memory_space<vmem_shared>>
        %dma_start3A_105 = arith.constant 0 : i32
        %dma_start3A_106 = arith.constant 0 : i32
        %dma_start3A_107 = tpu.memref_slice %arg15[%dma_start3A_105, %dma_start3A_106] : memref<128x8xf32, #tpu.memory_space<vmem>> -> memref<128x8xf32, #tpu.memory_space<vmem>>
        tpu.enqueue_dma source(%dma_start3A_107 : memref<128x8xf32, #tpu.memory_space<vmem>>) target(%dma_start3A_104 : memref<128x8xf32, #tpu.memory_space<vmem_shared>>) target_semaphore(%run_scoped3A : memref<!tpu.dma_semaphore, #tpu.memory_space<semaphore_mem>>)
        %dma_wait3A = arith.constant 0 : i32
        %dma_wait3A_108 = arith.constant 0 : i32
        %dma_wait3A_109 = tpu.memref_slice %arg15[%dma_wait3A, %dma_wait3A_108] : memref<128x8xf32, #tpu.memory_space<vmem>> -> memref<128x8xf32, #tpu.memory_space<vmem>>
        %dma_wait3A_110 = arith.constant 0 : i32
        %dma_wait3A_111 = tpu.memref_slice %arg17[%add3A_94, %dma_wait3A_110] : memref<10112x8xf32, #tpu.memory_space<vmem_shared>> -> memref<128x8xf32, #tpu.memory_space<vmem_shared>>
        %dma_wait3A_112 = arith.constant 0 : i32
        %dma_wait3A_113 = tpu.memref_slice %arg17[%add3A_94, %dma_wait3A_112] : memref<10112x8xf32, #tpu.memory_space<vmem_shared>> -> memref<128x8xf32, #tpu.memory_space<vmem_shared>>
        %dma_wait3A_114 = arith.constant 0 : i32
        %dma_wait3A_115 = arith.constant 0 : i32
        %dma_wait3A_116 = tpu.memref_slice %arg15[%dma_wait3A_114, %dma_wait3A_115] : memref<128x8xf32, #tpu.memory_space<vmem>> -> memref<128x8xf32, #tpu.memory_space<vmem>>
        tpu.wait_dma2 semaphore(%run_scoped3A : memref<!tpu.dma_semaphore, #tpu.memory_space<semaphore_mem>>) src(%dma_wait3A_116 : memref<128x8xf32, #tpu.memory_space<vmem>>) dst(%dma_wait3A_113 : memref<128x8xf32, #tpu.memory_space<vmem_shared>>)
        tpu.yield
      }) : () -> ()
      %mul3A_95 = arith.constant 632 : i32
      %mul3A_96 = arith.muli %arg1, %mul3A_95 : i32
      %add3A_97 = arith.constant 512 : i32
      %add3A_98 = arith.addi %mul3A_96, %add3A_97 : i32
      "tpu.region"() ({
        %run_scoped3A = tpu.sem_alloc : memref<!tpu.dma_semaphore, #tpu.memory_space<semaphore_mem>>
        %dma_start3A = arith.constant 0 : i32
        %dma_start3A_99 = arith.constant 0 : i32
        %dma_start3A_100 = tpu.memref_slice %arg15[%dma_start3A, %dma_start3A_99] : memref<128x8xf32, #tpu.memory_space<vmem>> -> memref<120x8xf32, #tpu.memory_space<vmem>>
        %dma_start3A_101 = arith.constant 0 : i32
        %dma_start3A_102 = tpu.memref_slice %arg17[%add3A_98, %dma_start3A_101] : memref<10112x8xf32, #tpu.memory_space<vmem_shared>> -> memref<120x8xf32, #tpu.memory_space<vmem_shared>>
        %dma_start3A_103 = arith.constant 0 : i32
        %dma_start3A_104 = tpu.memref_slice %arg17[%add3A_98, %dma_start3A_103] : memref<10112x8xf32, #tpu.memory_space<vmem_shared>> -> memref<120x8xf32, #tpu.memory_space<vmem_shared>>
        %dma_start3A_105 = arith.constant 0 : i32
        %dma_start3A_106 = arith.constant 0 : i32
        %dma_start3A_107 = tpu.memref_slice %arg15[%dma_start3A_105, %dma_start3A_106] : memref<128x8xf32, #tpu.memory_space<vmem>> -> memref<120x8xf32, #tpu.memory_space<vmem>>
        tpu.enqueue_dma source(%dma_start3A_107 : memref<120x8xf32, #tpu.memory_space<vmem>>) target(%dma_start3A_104 : memref<120x8xf32, #tpu.memory_space<vmem_shared>>) target_semaphore(%run_scoped3A : memref<!tpu.dma_semaphore, #tpu.memory_space<semaphore_mem>>)
        %dma_wait3A = arith.constant 0 : i32
        %dma_wait3A_108 = arith.constant 0 : i32
        %dma_wait3A_109 = tpu.memref_slice %arg15[%dma_wait3A, %dma_wait3A_108] : memref<128x8xf32, #tpu.memory_space<vmem>> -> memref<120x8xf32, #tpu.memory_space<vmem>>
        %dma_wait3A_110 = arith.constant 0 : i32
        %dma_wait3A_111 = tpu.memref_slice %arg17[%add3A_98, %dma_wait3A_110] : memref<10112x8xf32, #tpu.memory_space<vmem_shared>> -> memref<120x8xf32, #tpu.memory_space<vmem_shared>>
        %dma_wait3A_112 = arith.constant 0 : i32
        %dma_wait3A_113 = tpu.memref_slice %arg17[%add3A_98, %dma_wait3A_112] : memref<10112x8xf32, #tpu.memory_space<vmem_shared>> -> memref<120x8xf32, #tpu.memory_space<vmem_shared>>
        %dma_wait3A_114 = arith.constant 0 : i32
        %dma_wait3A_115 = arith.constant 0 : i32
        %dma_wait3A_116 = tpu.memref_slice %arg15[%dma_wait3A_114, %dma_wait3A_115] : memref<128x8xf32, #tpu.memory_space<vmem>> -> memref<120x8xf32, #tpu.memory_space<vmem>>
        tpu.wait_dma2 semaphore(%run_scoped3A : memref<!tpu.dma_semaphore, #tpu.memory_space<semaphore_mem>>) src(%dma_wait3A_116 : memref<120x8xf32, #tpu.memory_space<vmem>>) dst(%dma_wait3A_113 : memref<120x8xf32, #tpu.memory_space<vmem_shared>>)
        tpu.yield
      }) : () -> ()
    } else {
    }
    %barrier3A = arith.constant 0 : index
    tpu.barrier barrier_id(%barrier3A)
    %lt3A = arith.constant 4 : i32
    %lt3A_20 = arith.cmpi slt, %arg1, %lt3A : i32
    %select_n3A = arith.constant 156 : i32
    %select_n3A_21 = arith.constant 157 : i32
    %select_n3A_22 = arith.select %lt3A_20, %select_n3A_21, %select_n3A : i32
    %eq3A_23 = arith.constant 0 : i32
    %eq3A_24 = arith.cmpi eq, %arg0, %eq3A_23 : i32
    %convert_element_type3A_25 = arith.extui %eq3A_24 : i1 to i32
    %cond3A_26 = arith.constant 0 : i32
    %cond3A_27 = arith.cmpi ne, %convert_element_type3A_25, %cond3A_26 : i32
    scf.if %cond3A_27 {
      %while3A = arith.constant 0 : i32
      %while3A_79 = arith.constant 0 : i32
      %while3A_80 = arith.subi %select_n3A_22, %while3A_79 : i32
      %while3A_81 = arith.addi %while3A_79, %while3A_80 : i32
      %while3A_82 = arith.constant 1 : i32
      %while3A_83 = arith.divsi %while3A_80, %while3A_82 : i32
      %while3A_84 = arith.muli %while3A_83, %while3A_82 : i32
      %while3A_85 = arith.addi %while3A_79, %while3A_84 : i32
      %while3A_86 = arith.constant 1 : i32
      scf.for %while3A_88 = %while3A_79 to %while3A_85 step %while3A_86  : i32 {
        %mul3A_89 = arith.constant 16 : i32
        %mul3A_90 = arith.muli %while3A_88, %mul3A_89 : i32
        %add3A_91 = arith.addi %arg1, %mul3A_90 : i32
        %mul3A_92 = arith.constant 128 : i32
        %mul3A_93 = arith.muli %add3A_91, %mul3A_92 : i32
        "tpu.region"() ({
          %run_scoped3A = tpu.sem_alloc : memref<!tpu.dma_semaphore, #tpu.memory_space<semaphore_mem>>
          %dma_start3A_98 = tpu.memref_slice %arg4[%mul3A_93] : memref<320000xi32, #tpu.memory_space<hbm>> -> memref<128xi32, #tpu.memory_space<hbm>>
          %dma_start3A_99 = tpu.memref_slice %arg4[%mul3A_93] : memref<320000xi32, #tpu.memory_space<hbm>> -> memref<128xi32, #tpu.memory_space<hbm>>
          tpu.enqueue_dma source(%dma_start3A_99 : memref<128xi32, #tpu.memory_space<hbm>>) target(%arg11 : memref<128xi32, #tpu.memory_space<vmem>>) target_semaphore(%run_scoped3A : memref<!tpu.dma_semaphore, #tpu.memory_space<semaphore_mem>>)
          %dma_wait3A_100 = tpu.memref_slice %arg4[%mul3A_93] : memref<320000xi32, #tpu.memory_space<hbm>> -> memref<128xi32, #tpu.memory_space<hbm>>
          %dma_wait3A_101 = tpu.memref_slice %arg4[%mul3A_93] : memref<320000xi32, #tpu.memory_space<hbm>> -> memref<128xi32, #tpu.memory_space<hbm>>
          tpu.wait_dma2 semaphore(%run_scoped3A : memref<!tpu.dma_semaphore, #tpu.memory_space<semaphore_mem>>) src(%dma_wait3A_101 : memref<128xi32, #tpu.memory_space<hbm>>) dst(%arg11 : memref<128xi32, #tpu.memory_space<vmem>>)
          tpu.yield
        }) : () -> ()
        "tpu.region"() ({
          %run_scoped3A = tpu.sem_alloc : memref<!tpu.dma_semaphore, #tpu.memory_space<semaphore_mem>>
          %dma_start3A_98 = tpu.memref_slice %arg5[%mul3A_93] : memref<320000xi32, #tpu.memory_space<hbm>> -> memref<128xi32, #tpu.memory_space<hbm>>
          %dma_start3A_99 = tpu.memref_slice %arg5[%mul3A_93] : memref<320000xi32, #tpu.memory_space<hbm>> -> memref<128xi32, #tpu.memory_space<hbm>>
          tpu.enqueue_dma source(%dma_start3A_99 : memref<128xi32, #tpu.memory_space<hbm>>) target(%arg12 : memref<128xi32, #tpu.memory_space<vmem>>) target_semaphore(%run_scoped3A : memref<!tpu.dma_semaphore, #tpu.memory_space<semaphore_mem>>)
          %dma_wait3A_100 = tpu.memref_slice %arg5[%mul3A_93] : memref<320000xi32, #tpu.memory_space<hbm>> -> memref<128xi32, #tpu.memory_space<hbm>>
          %dma_wait3A_101 = tpu.memref_slice %arg5[%mul3A_93] : memref<320000xi32, #tpu.memory_space<hbm>> -> memref<128xi32, #tpu.memory_space<hbm>>
          tpu.wait_dma2 semaphore(%run_scoped3A : memref<!tpu.dma_semaphore, #tpu.memory_space<semaphore_mem>>) src(%dma_wait3A_101 : memref<128xi32, #tpu.memory_space<hbm>>) dst(%arg12 : memref<128xi32, #tpu.memory_space<vmem>>)
          tpu.yield
        }) : () -> ()
        %dma_start3A = arith.constant 0 : i32
        %dma_start3A_94 = arith.constant 0 : i32
        %dma_start3A_95 = tpu.memref_slice %arg2[%dma_start3A, %dma_start3A_94] : memref<10000x64xf32, #tpu.memory_space<hbm>> -> memref<10000x64xf32, #tpu.memory_space<hbm>>
        tpu.enqueue_indirect_dma source(%dma_start3A_95 : memref<10000x64xf32, #tpu.memory_space<hbm>>) target(%arg13 : memref<128x64xf32, #tpu.memory_space<vmem>>) offsets(%arg11 : memref<128xi32, #tpu.memory_space<vmem>>) semaphore(%arg18 : memref<!tpu.dma_semaphore, #tpu.memory_space<semaphore_mem>>)
        %dma_wait3A = arith.constant 0 : i32
        %dma_wait3A_96 = arith.constant 0 : i32
        %dma_wait3A_97 = tpu.memref_slice %arg2[%dma_wait3A, %dma_wait3A_96] : memref<10000x64xf32, #tpu.memory_space<hbm>> -> memref<10000x64xf32, #tpu.memory_space<hbm>>
        tpu.wait_indirect_dma semaphore(%arg18 : memref<!tpu.dma_semaphore, #tpu.memory_space<semaphore_mem>>) src(%dma_wait3A_97 : memref<10000x64xf32, #tpu.memory_space<hbm>>) dst(%arg13 : memref<128x64xf32, #tpu.memory_space<vmem>>)
        "tpu.region"() ({
          %run_scoped3A = tpu.sem_alloc : memref<!tpu.dma_semaphore, #tpu.memory_space<semaphore_mem>>
          %dma_start3A_98 = arith.constant 0 : i32
          %dma_start3A_99 = arith.constant 0 : i32
          %dma_start3A_100 = tpu.memref_slice %arg16[%dma_start3A_98, %dma_start3A_99] : memref<10112x64xf32, #tpu.memory_space<vmem_shared>> -> memref<10112x64xf32, #tpu.memory_space<vmem_shared>>
          tpu.enqueue_indirect_dma source(%arg13 : memref<128x64xf32, #tpu.memory_space<vmem>>) target(%dma_start3A_100 : memref<10112x64xf32, #tpu.memory_space<vmem_shared>>) offsets(%arg12 : memref<128xi32, #tpu.memory_space<vmem>>) semaphore(%run_scoped3A : memref<!tpu.dma_semaphore, #tpu.memory_space<semaphore_mem>>) {add = true}
          %dma_wait3A_101 = arith.constant 0 : i32
          %dma_wait3A_102 = arith.constant 0 : i32
          %dma_wait3A_103 = tpu.memref_slice %arg16[%dma_wait3A_101, %dma_wait3A_102] : memref<10112x64xf32, #tpu.memory_space<vmem_shared>> -> memref<10112x64xf32, #tpu.memory_space<vmem_shared>>
          tpu.wait_indirect_dma semaphore(%run_scoped3A : memref<!tpu.dma_semaphore, #tpu.memory_space<semaphore_mem>>) src(%arg13 : memref<128x64xf32, #tpu.memory_space<vmem>>) dst(%dma_wait3A_103 : memref<10112x64xf32, #tpu.memory_space<vmem_shared>>)
          tpu.yield
        }) : () -> ()
      }
      %while3A_87 = arith.constant 1 : i32
      scf.for %while3A_88 = %while3A_85 to %while3A_81 step %while3A_87  : i32 {
        %mul3A_89 = arith.constant 16 : i32
        %mul3A_90 = arith.muli %while3A_88, %mul3A_89 : i32
        %add3A_91 = arith.addi %arg1, %mul3A_90 : i32
        %mul3A_92 = arith.constant 128 : i32
        %mul3A_93 = arith.muli %add3A_91, %mul3A_92 : i32
        "tpu.region"() ({
          %run_scoped3A = tpu.sem_alloc : memref<!tpu.dma_semaphore, #tpu.memory_space<semaphore_mem>>
          %dma_start3A_98 = tpu.memref_slice %arg4[%mul3A_93] : memref<320000xi32, #tpu.memory_space<hbm>> -> memref<128xi32, #tpu.memory_space<hbm>>
          %dma_start3A_99 = tpu.memref_slice %arg4[%mul3A_93] : memref<320000xi32, #tpu.memory_space<hbm>> -> memref<128xi32, #tpu.memory_space<hbm>>
          tpu.enqueue_dma source(%dma_start3A_99 : memref<128xi32, #tpu.memory_space<hbm>>) target(%arg11 : memref<128xi32, #tpu.memory_space<vmem>>) target_semaphore(%run_scoped3A : memref<!tpu.dma_semaphore, #tpu.memory_space<semaphore_mem>>)
          %dma_wait3A_100 = tpu.memref_slice %arg4[%mul3A_93] : memref<320000xi32, #tpu.memory_space<hbm>> -> memref<128xi32, #tpu.memory_space<hbm>>
          %dma_wait3A_101 = tpu.memref_slice %arg4[%mul3A_93] : memref<320000xi32, #tpu.memory_space<hbm>> -> memref<128xi32, #tpu.memory_space<hbm>>
          tpu.wait_dma2 semaphore(%run_scoped3A : memref<!tpu.dma_semaphore, #tpu.memory_space<semaphore_mem>>) src(%dma_wait3A_101 : memref<128xi32, #tpu.memory_space<hbm>>) dst(%arg11 : memref<128xi32, #tpu.memory_space<vmem>>)
          tpu.yield
        }) : () -> ()
        "tpu.region"() ({
          %run_scoped3A = tpu.sem_alloc : memref<!tpu.dma_semaphore, #tpu.memory_space<semaphore_mem>>
          %dma_start3A_98 = tpu.memref_slice %arg5[%mul3A_93] : memref<320000xi32, #tpu.memory_space<hbm>> -> memref<128xi32, #tpu.memory_space<hbm>>
          %dma_start3A_99 = tpu.memref_slice %arg5[%mul3A_93] : memref<320000xi32, #tpu.memory_space<hbm>> -> memref<128xi32, #tpu.memory_space<hbm>>
          tpu.enqueue_dma source(%dma_start3A_99 : memref<128xi32, #tpu.memory_space<hbm>>) target(%arg12 : memref<128xi32, #tpu.memory_space<vmem>>) target_semaphore(%run_scoped3A : memref<!tpu.dma_semaphore, #tpu.memory_space<semaphore_mem>>)
          %dma_wait3A_100 = tpu.memref_slice %arg5[%mul3A_93] : memref<320000xi32, #tpu.memory_space<hbm>> -> memref<128xi32, #tpu.memory_space<hbm>>
          %dma_wait3A_101 = tpu.memref_slice %arg5[%mul3A_93] : memref<320000xi32, #tpu.memory_space<hbm>> -> memref<128xi32, #tpu.memory_space<hbm>>
          tpu.wait_dma2 semaphore(%run_scoped3A : memref<!tpu.dma_semaphore, #tpu.memory_space<semaphore_mem>>) src(%dma_wait3A_101 : memref<128xi32, #tpu.memory_space<hbm>>) dst(%arg12 : memref<128xi32, #tpu.memory_space<vmem>>)
          tpu.yield
        }) : () -> ()
        %dma_start3A = arith.constant 0 : i32
        %dma_start3A_94 = arith.constant 0 : i32
        %dma_start3A_95 = tpu.memref_slice %arg2[%dma_start3A, %dma_start3A_94] : memref<10000x64xf32, #tpu.memory_space<hbm>> -> memref<10000x64xf32, #tpu.memory_space<hbm>>
        tpu.enqueue_indirect_dma source(%dma_start3A_95 : memref<10000x64xf32, #tpu.memory_space<hbm>>) target(%arg13 : memref<128x64xf32, #tpu.memory_space<vmem>>) offsets(%arg11 : memref<128xi32, #tpu.memory_space<vmem>>) semaphore(%arg18 : memref<!tpu.dma_semaphore, #tpu.memory_space<semaphore_mem>>)
        %dma_wait3A = arith.constant 0 : i32
        %dma_wait3A_96 = arith.constant 0 : i32
        %dma_wait3A_97 = tpu.memref_slice %arg2[%dma_wait3A, %dma_wait3A_96] : memref<10000x64xf32, #tpu.memory_space<hbm>> -> memref<10000x64xf32, #tpu.memory_space<hbm>>
        tpu.wait_indirect_dma semaphore(%arg18 : memref<!tpu.dma_semaphore, #tpu.memory_space<semaphore_mem>>) src(%dma_wait3A_97 : memref<10000x64xf32, #tpu.memory_space<hbm>>) dst(%arg13 : memref<128x64xf32, #tpu.memory_space<vmem>>)
        "tpu.region"() ({
          %run_scoped3A = tpu.sem_alloc : memref<!tpu.dma_semaphore, #tpu.memory_space<semaphore_mem>>
          %dma_start3A_98 = arith.constant 0 : i32
          %dma_start3A_99 = arith.constant 0 : i32
          %dma_start3A_100 = tpu.memref_slice %arg16[%dma_start3A_98, %dma_start3A_99] : memref<10112x64xf32, #tpu.memory_space<vmem_shared>> -> memref<10112x64xf32, #tpu.memory_space<vmem_shared>>
          tpu.enqueue_indirect_dma source(%arg13 : memref<128x64xf32, #tpu.memory_space<vmem>>) target(%dma_start3A_100 : memref<10112x64xf32, #tpu.memory_space<vmem_shared>>) offsets(%arg12 : memref<128xi32, #tpu.memory_space<vmem>>) semaphore(%run_scoped3A : memref<!tpu.dma_semaphore, #tpu.memory_space<semaphore_mem>>) {add = true}
          %dma_wait3A_101 = arith.constant 0 : i32
          %dma_wait3A_102 = arith.constant 0 : i32
          %dma_wait3A_103 = tpu.memref_slice %arg16[%dma_wait3A_101, %dma_wait3A_102] : memref<10112x64xf32, #tpu.memory_space<vmem_shared>> -> memref<10112x64xf32, #tpu.memory_space<vmem_shared>>
          tpu.wait_indirect_dma semaphore(%run_scoped3A : memref<!tpu.dma_semaphore, #tpu.memory_space<semaphore_mem>>) src(%arg13 : memref<128x64xf32, #tpu.memory_space<vmem>>) dst(%dma_wait3A_103 : memref<10112x64xf32, #tpu.memory_space<vmem_shared>>)
          tpu.yield
        }) : () -> ()
      }
    } else {
    }
    %eq3A_28 = arith.constant 1 : i32
    %eq3A_29 = arith.cmpi eq, %arg0, %eq3A_28 : i32
    %convert_element_type3A_30 = arith.extui %eq3A_29 : i1 to i32
    %cond3A_31 = arith.constant 0 : i32
    %cond3A_32 = arith.cmpi ne, %convert_element_type3A_30, %cond3A_31 : i32
    scf.if %cond3A_32 {
      %while3A = arith.constant 0 : i32
      %while3A_79 = arith.constant 0 : i32
      %while3A_80 = arith.subi %select_n3A_22, %while3A_79 : i32
      %while3A_81 = arith.addi %while3A_79, %while3A_80 : i32
      %while3A_82 = arith.constant 1 : i32
      %while3A_83 = arith.divsi %while3A_80, %while3A_82 : i32
      %while3A_84 = arith.muli %while3A_83, %while3A_82 : i32
      %while3A_85 = arith.addi %while3A_79, %while3A_84 : i32
      %while3A_86 = arith.constant 1 : i32
      scf.for %while3A_88 = %while3A_79 to %while3A_85 step %while3A_86  : i32 {
        %mul3A_89 = arith.constant 16 : i32
        %mul3A_90 = arith.muli %while3A_88, %mul3A_89 : i32
        %add3A_91 = arith.addi %arg1, %mul3A_90 : i32
        %mul3A_92 = arith.constant 128 : i32
        %mul3A_93 = arith.muli %add3A_91, %mul3A_92 : i32
        "tpu.region"() ({
          %run_scoped3A = tpu.sem_alloc : memref<!tpu.dma_semaphore, #tpu.memory_space<semaphore_mem>>
          %dma_start3A_98 = tpu.memref_slice %arg4[%mul3A_93] : memref<320000xi32, #tpu.memory_space<hbm>> -> memref<128xi32, #tpu.memory_space<hbm>>
          %dma_start3A_99 = tpu.memref_slice %arg4[%mul3A_93] : memref<320000xi32, #tpu.memory_space<hbm>> -> memref<128xi32, #tpu.memory_space<hbm>>
          tpu.enqueue_dma source(%dma_start3A_99 : memref<128xi32, #tpu.memory_space<hbm>>) target(%arg11 : memref<128xi32, #tpu.memory_space<vmem>>) target_semaphore(%run_scoped3A : memref<!tpu.dma_semaphore, #tpu.memory_space<semaphore_mem>>)
          %dma_wait3A_100 = tpu.memref_slice %arg4[%mul3A_93] : memref<320000xi32, #tpu.memory_space<hbm>> -> memref<128xi32, #tpu.memory_space<hbm>>
          %dma_wait3A_101 = tpu.memref_slice %arg4[%mul3A_93] : memref<320000xi32, #tpu.memory_space<hbm>> -> memref<128xi32, #tpu.memory_space<hbm>>
          tpu.wait_dma2 semaphore(%run_scoped3A : memref<!tpu.dma_semaphore, #tpu.memory_space<semaphore_mem>>) src(%dma_wait3A_101 : memref<128xi32, #tpu.memory_space<hbm>>) dst(%arg11 : memref<128xi32, #tpu.memory_space<vmem>>)
          tpu.yield
        }) : () -> ()
        "tpu.region"() ({
          %run_scoped3A = tpu.sem_alloc : memref<!tpu.dma_semaphore, #tpu.memory_space<semaphore_mem>>
          %dma_start3A_98 = tpu.memref_slice %arg5[%mul3A_93] : memref<320000xi32, #tpu.memory_space<hbm>> -> memref<128xi32, #tpu.memory_space<hbm>>
          %dma_start3A_99 = tpu.memref_slice %arg5[%mul3A_93] : memref<320000xi32, #tpu.memory_space<hbm>> -> memref<128xi32, #tpu.memory_space<hbm>>
          tpu.enqueue_dma source(%dma_start3A_99 : memref<128xi32, #tpu.memory_space<hbm>>) target(%arg12 : memref<128xi32, #tpu.memory_space<vmem>>) target_semaphore(%run_scoped3A : memref<!tpu.dma_semaphore, #tpu.memory_space<semaphore_mem>>)
          %dma_wait3A_100 = tpu.memref_slice %arg5[%mul3A_93] : memref<320000xi32, #tpu.memory_space<hbm>> -> memref<128xi32, #tpu.memory_space<hbm>>
          %dma_wait3A_101 = tpu.memref_slice %arg5[%mul3A_93] : memref<320000xi32, #tpu.memory_space<hbm>> -> memref<128xi32, #tpu.memory_space<hbm>>
          tpu.wait_dma2 semaphore(%run_scoped3A : memref<!tpu.dma_semaphore, #tpu.memory_space<semaphore_mem>>) src(%dma_wait3A_101 : memref<128xi32, #tpu.memory_space<hbm>>) dst(%arg12 : memref<128xi32, #tpu.memory_space<vmem>>)
          tpu.yield
        }) : () -> ()
        %dma_start3A = arith.constant 0 : i32
        %dma_start3A_94 = arith.constant 0 : i32
        %dma_start3A_95 = tpu.memref_slice %arg3[%dma_start3A, %dma_start3A_94] : memref<10000x64xf32, #tpu.memory_space<hbm>> -> memref<10000x64xf32, #tpu.memory_space<hbm>>
        tpu.enqueue_indirect_dma source(%dma_start3A_95 : memref<10000x64xf32, #tpu.memory_space<hbm>>) target(%arg13 : memref<128x64xf32, #tpu.memory_space<vmem>>) offsets(%arg11 : memref<128xi32, #tpu.memory_space<vmem>>) semaphore(%arg18 : memref<!tpu.dma_semaphore, #tpu.memory_space<semaphore_mem>>)
        %dma_wait3A = arith.constant 0 : i32
        %dma_wait3A_96 = arith.constant 0 : i32
        %dma_wait3A_97 = tpu.memref_slice %arg3[%dma_wait3A, %dma_wait3A_96] : memref<10000x64xf32, #tpu.memory_space<hbm>> -> memref<10000x64xf32, #tpu.memory_space<hbm>>
        tpu.wait_indirect_dma semaphore(%arg18 : memref<!tpu.dma_semaphore, #tpu.memory_space<semaphore_mem>>) src(%dma_wait3A_97 : memref<10000x64xf32, #tpu.memory_space<hbm>>) dst(%arg13 : memref<128x64xf32, #tpu.memory_space<vmem>>)
        "tpu.region"() ({
          %run_scoped3A = tpu.sem_alloc : memref<!tpu.dma_semaphore, #tpu.memory_space<semaphore_mem>>
          %dma_start3A_98 = arith.constant 0 : i32
          %dma_start3A_99 = arith.constant 0 : i32
          %dma_start3A_100 = tpu.memref_slice %arg16[%dma_start3A_98, %dma_start3A_99] : memref<10112x64xf32, #tpu.memory_space<vmem_shared>> -> memref<10112x64xf32, #tpu.memory_space<vmem_shared>>
          tpu.enqueue_indirect_dma source(%arg13 : memref<128x64xf32, #tpu.memory_space<vmem>>) target(%dma_start3A_100 : memref<10112x64xf32, #tpu.memory_space<vmem_shared>>) offsets(%arg12 : memref<128xi32, #tpu.memory_space<vmem>>) semaphore(%run_scoped3A : memref<!tpu.dma_semaphore, #tpu.memory_space<semaphore_mem>>) {add = true}
          %dma_wait3A_101 = arith.constant 0 : i32
          %dma_wait3A_102 = arith.constant 0 : i32
          %dma_wait3A_103 = tpu.memref_slice %arg16[%dma_wait3A_101, %dma_wait3A_102] : memref<10112x64xf32, #tpu.memory_space<vmem_shared>> -> memref<10112x64xf32, #tpu.memory_space<vmem_shared>>
          tpu.wait_indirect_dma semaphore(%run_scoped3A : memref<!tpu.dma_semaphore, #tpu.memory_space<semaphore_mem>>) src(%arg13 : memref<128x64xf32, #tpu.memory_space<vmem>>) dst(%dma_wait3A_103 : memref<10112x64xf32, #tpu.memory_space<vmem_shared>>)
          tpu.yield
        }) : () -> ()
        "tpu.region"() ({
          %run_scoped3A = tpu.sem_alloc : memref<!tpu.dma_semaphore, #tpu.memory_space<semaphore_mem>>
          %dma_start3A_98 = arith.constant 0 : i32
          %dma_start3A_99 = arith.constant 0 : i32
          %dma_start3A_100 = tpu.memref_slice %arg17[%dma_start3A_98, %dma_start3A_99] : memref<10112x8xf32, #tpu.memory_space<vmem_shared>> -> memref<10112x8xf32, #tpu.memory_space<vmem_shared>>
          tpu.enqueue_indirect_dma source(%arg14 : memref<128x8xf32, #tpu.memory_space<vmem>>) target(%dma_start3A_100 : memref<10112x8xf32, #tpu.memory_space<vmem_shared>>) offsets(%arg12 : memref<128xi32, #tpu.memory_space<vmem>>) semaphore(%run_scoped3A : memref<!tpu.dma_semaphore, #tpu.memory_space<semaphore_mem>>) {add = true}
          %dma_wait3A_101 = arith.constant 0 : i32
          %dma_wait3A_102 = arith.constant 0 : i32
          %dma_wait3A_103 = tpu.memref_slice %arg17[%dma_wait3A_101, %dma_wait3A_102] : memref<10112x8xf32, #tpu.memory_space<vmem_shared>> -> memref<10112x8xf32, #tpu.memory_space<vmem_shared>>
          tpu.wait_indirect_dma semaphore(%run_scoped3A : memref<!tpu.dma_semaphore, #tpu.memory_space<semaphore_mem>>) src(%arg14 : memref<128x8xf32, #tpu.memory_space<vmem>>) dst(%dma_wait3A_103 : memref<10112x8xf32, #tpu.memory_space<vmem_shared>>)
          tpu.yield
        }) : () -> ()
      }
      %while3A_87 = arith.constant 1 : i32
      scf.for %while3A_88 = %while3A_85 to %while3A_81 step %while3A_87  : i32 {
        %mul3A_89 = arith.constant 16 : i32
        %mul3A_90 = arith.muli %while3A_88, %mul3A_89 : i32
        %add3A_91 = arith.addi %arg1, %mul3A_90 : i32
        %mul3A_92 = arith.constant 128 : i32
        %mul3A_93 = arith.muli %add3A_91, %mul3A_92 : i32
        "tpu.region"() ({
          %run_scoped3A = tpu.sem_alloc : memref<!tpu.dma_semaphore, #tpu.memory_space<semaphore_mem>>
          %dma_start3A_98 = tpu.memref_slice %arg4[%mul3A_93] : memref<320000xi32, #tpu.memory_space<hbm>> -> memref<128xi32, #tpu.memory_space<hbm>>
          %dma_start3A_99 = tpu.memref_slice %arg4[%mul3A_93] : memref<320000xi32, #tpu.memory_space<hbm>> -> memref<128xi32, #tpu.memory_space<hbm>>
          tpu.enqueue_dma source(%dma_start3A_99 : memref<128xi32, #tpu.memory_space<hbm>>) target(%arg11 : memref<128xi32, #tpu.memory_space<vmem>>) target_semaphore(%run_scoped3A : memref<!tpu.dma_semaphore, #tpu.memory_space<semaphore_mem>>)
          %dma_wait3A_100 = tpu.memref_slice %arg4[%mul3A_93] : memref<320000xi32, #tpu.memory_space<hbm>> -> memref<128xi32, #tpu.memory_space<hbm>>
          %dma_wait3A_101 = tpu.memref_slice %arg4[%mul3A_93] : memref<320000xi32, #tpu.memory_space<hbm>> -> memref<128xi32, #tpu.memory_space<hbm>>
          tpu.wait_dma2 semaphore(%run_scoped3A : memref<!tpu.dma_semaphore, #tpu.memory_space<semaphore_mem>>) src(%dma_wait3A_101 : memref<128xi32, #tpu.memory_space<hbm>>) dst(%arg11 : memref<128xi32, #tpu.memory_space<vmem>>)
          tpu.yield
        }) : () -> ()
        "tpu.region"() ({
          %run_scoped3A = tpu.sem_alloc : memref<!tpu.dma_semaphore, #tpu.memory_space<semaphore_mem>>
          %dma_start3A_98 = tpu.memref_slice %arg5[%mul3A_93] : memref<320000xi32, #tpu.memory_space<hbm>> -> memref<128xi32, #tpu.memory_space<hbm>>
          %dma_start3A_99 = tpu.memref_slice %arg5[%mul3A_93] : memref<320000xi32, #tpu.memory_space<hbm>> -> memref<128xi32, #tpu.memory_space<hbm>>
          tpu.enqueue_dma source(%dma_start3A_99 : memref<128xi32, #tpu.memory_space<hbm>>) target(%arg12 : memref<128xi32, #tpu.memory_space<vmem>>) target_semaphore(%run_scoped3A : memref<!tpu.dma_semaphore, #tpu.memory_space<semaphore_mem>>)
          %dma_wait3A_100 = tpu.memref_slice %arg5[%mul3A_93] : memref<320000xi32, #tpu.memory_space<hbm>> -> memref<128xi32, #tpu.memory_space<hbm>>
          %dma_wait3A_101 = tpu.memref_slice %arg5[%mul3A_93] : memref<320000xi32, #tpu.memory_space<hbm>> -> memref<128xi32, #tpu.memory_space<hbm>>
          tpu.wait_dma2 semaphore(%run_scoped3A : memref<!tpu.dma_semaphore, #tpu.memory_space<semaphore_mem>>) src(%dma_wait3A_101 : memref<128xi32, #tpu.memory_space<hbm>>) dst(%arg12 : memref<128xi32, #tpu.memory_space<vmem>>)
          tpu.yield
        }) : () -> ()
        %dma_start3A = arith.constant 0 : i32
        %dma_start3A_94 = arith.constant 0 : i32
        %dma_start3A_95 = tpu.memref_slice %arg3[%dma_start3A, %dma_start3A_94] : memref<10000x64xf32, #tpu.memory_space<hbm>> -> memref<10000x64xf32, #tpu.memory_space<hbm>>
        tpu.enqueue_indirect_dma source(%dma_start3A_95 : memref<10000x64xf32, #tpu.memory_space<hbm>>) target(%arg13 : memref<128x64xf32, #tpu.memory_space<vmem>>) offsets(%arg11 : memref<128xi32, #tpu.memory_space<vmem>>) semaphore(%arg18 : memref<!tpu.dma_semaphore, #tpu.memory_space<semaphore_mem>>)
        %dma_wait3A = arith.constant 0 : i32
        %dma_wait3A_96 = arith.constant 0 : i32
        %dma_wait3A_97 = tpu.memref_slice %arg3[%dma_wait3A, %dma_wait3A_96] : memref<10000x64xf32, #tpu.memory_space<hbm>> -> memref<10000x64xf32, #tpu.memory_space<hbm>>
        tpu.wait_indirect_dma semaphore(%arg18 : memref<!tpu.dma_semaphore, #tpu.memory_space<semaphore_mem>>) src(%dma_wait3A_97 : memref<10000x64xf32, #tpu.memory_space<hbm>>) dst(%arg13 : memref<128x64xf32, #tpu.memory_space<vmem>>)
        "tpu.region"() ({
          %run_scoped3A = tpu.sem_alloc : memref<!tpu.dma_semaphore, #tpu.memory_space<semaphore_mem>>
          %dma_start3A_98 = arith.constant 0 : i32
          %dma_start3A_99 = arith.constant 0 : i32
          %dma_start3A_100 = tpu.memref_slice %arg16[%dma_start3A_98, %dma_start3A_99] : memref<10112x64xf32, #tpu.memory_space<vmem_shared>> -> memref<10112x64xf32, #tpu.memory_space<vmem_shared>>
          tpu.enqueue_indirect_dma source(%arg13 : memref<128x64xf32, #tpu.memory_space<vmem>>) target(%dma_start3A_100 : memref<10112x64xf32, #tpu.memory_space<vmem_shared>>) offsets(%arg12 : memref<128xi32, #tpu.memory_space<vmem>>) semaphore(%run_scoped3A : memref<!tpu.dma_semaphore, #tpu.memory_space<semaphore_mem>>) {add = true}
          %dma_wait3A_101 = arith.constant 0 : i32
          %dma_wait3A_102 = arith.constant 0 : i32
          %dma_wait3A_103 = tpu.memref_slice %arg16[%dma_wait3A_101, %dma_wait3A_102] : memref<10112x64xf32, #tpu.memory_space<vmem_shared>> -> memref<10112x64xf32, #tpu.memory_space<vmem_shared>>
          tpu.wait_indirect_dma semaphore(%run_scoped3A : memref<!tpu.dma_semaphore, #tpu.memory_space<semaphore_mem>>) src(%arg13 : memref<128x64xf32, #tpu.memory_space<vmem>>) dst(%dma_wait3A_103 : memref<10112x64xf32, #tpu.memory_space<vmem_shared>>)
          tpu.yield
        }) : () -> ()
        "tpu.region"() ({
          %run_scoped3A = tpu.sem_alloc : memref<!tpu.dma_semaphore, #tpu.memory_space<semaphore_mem>>
          %dma_start3A_98 = arith.constant 0 : i32
          %dma_start3A_99 = arith.constant 0 : i32
          %dma_start3A_100 = tpu.memref_slice %arg17[%dma_start3A_98, %dma_start3A_99] : memref<10112x8xf32, #tpu.memory_space<vmem_shared>> -> memref<10112x8xf32, #tpu.memory_space<vmem_shared>>
          tpu.enqueue_indirect_dma source(%arg14 : memref<128x8xf32, #tpu.memory_space<vmem>>) target(%dma_start3A_100 : memref<10112x8xf32, #tpu.memory_space<vmem_shared>>) offsets(%arg12 : memref<128xi32, #tpu.memory_space<vmem>>) semaphore(%run_scoped3A : memref<!tpu.dma_semaphore, #tpu.memory_space<semaphore_mem>>) {add = true}
          %dma_wait3A_101 = arith.constant 0 : i32
          %dma_wait3A_102 = arith.constant 0 : i32
          %dma_wait3A_103 = tpu.memref_slice %arg17[%dma_wait3A_101, %dma_wait3A_102] : memref<10112x8xf32, #tpu.memory_space<vmem_shared>> -> memref<10112x8xf32, #tpu.memory_space<vmem_shared>>
          tpu.wait_indirect_dma semaphore(%run_scoped3A : memref<!tpu.dma_semaphore, #tpu.memory_space<semaphore_mem>>) src(%arg14 : memref<128x8xf32, #tpu.memory_space<vmem>>) dst(%dma_wait3A_103 : memref<10112x8xf32, #tpu.memory_space<vmem_shared>>)
          tpu.yield
        }) : () -> ()
      }
    } else {
    }
    %barrier3A_33 = arith.constant 0 : index
    tpu.barrier barrier_id(%barrier3A_33)
    %mul3A_34 = arith.constant 632 : i32
    %mul3A_35 = arith.muli %arg1, %mul3A_34 : i32
    %add3A_36 = arith.constant 0 : i32
    %add3A_37 = arith.addi %mul3A_35, %add3A_36 : i32
    "tpu.region"() ({
      %run_scoped3A = tpu.sem_alloc : memref<!tpu.dma_semaphore, #tpu.memory_space<semaphore_mem>>
      %dma_start3A = arith.constant 0 : i32
      %dma_start3A_79 = arith.constant 0 : i32
      %dma_start3A_80 = tpu.memref_slice %arg13[%dma_start3A, %dma_start3A_79] : memref<128x64xf32, #tpu.memory_space<vmem>> -> memref<128x64xf32, #tpu.memory_space<vmem>>
      %dma_start3A_81 = arith.constant 0 : i32
      %dma_start3A_82 = tpu.memref_slice %arg16[%add3A_37, %dma_start3A_81] : memref<10112x64xf32, #tpu.memory_space<vmem_shared>> -> memref<128x64xf32, #tpu.memory_space<vmem_shared>>
      %dma_start3A_83 = arith.constant 0 : i32
      %dma_start3A_84 = arith.constant 0 : i32
      %dma_start3A_85 = tpu.memref_slice %arg13[%dma_start3A_83, %dma_start3A_84] : memref<128x64xf32, #tpu.memory_space<vmem>> -> memref<128x64xf32, #tpu.memory_space<vmem>>
      %dma_start3A_86 = arith.constant 0 : i32
      %dma_start3A_87 = tpu.memref_slice %arg16[%add3A_37, %dma_start3A_86] : memref<10112x64xf32, #tpu.memory_space<vmem_shared>> -> memref<128x64xf32, #tpu.memory_space<vmem_shared>>
      tpu.enqueue_dma source(%dma_start3A_87 : memref<128x64xf32, #tpu.memory_space<vmem_shared>>) target(%dma_start3A_85 : memref<128x64xf32, #tpu.memory_space<vmem>>) target_semaphore(%run_scoped3A : memref<!tpu.dma_semaphore, #tpu.memory_space<semaphore_mem>>)
      %dma_wait3A = arith.constant 0 : i32
      %dma_wait3A_88 = arith.constant 0 : i32
      %dma_wait3A_89 = tpu.memref_slice %arg13[%dma_wait3A, %dma_wait3A_88] : memref<128x64xf32, #tpu.memory_space<vmem>> -> memref<128x64xf32, #tpu.memory_space<vmem>>
      %dma_wait3A_90 = arith.constant 0 : i32
      %dma_wait3A_91 = tpu.memref_slice %arg16[%add3A_37, %dma_wait3A_90] : memref<10112x64xf32, #tpu.memory_space<vmem_shared>> -> memref<128x64xf32, #tpu.memory_space<vmem_shared>>
      %dma_wait3A_92 = arith.constant 0 : i32
      %dma_wait3A_93 = arith.constant 0 : i32
      %dma_wait3A_94 = tpu.memref_slice %arg13[%dma_wait3A_92, %dma_wait3A_93] : memref<128x64xf32, #tpu.memory_space<vmem>> -> memref<128x64xf32, #tpu.memory_space<vmem>>
      %dma_wait3A_95 = arith.constant 0 : i32
      %dma_wait3A_96 = tpu.memref_slice %arg16[%add3A_37, %dma_wait3A_95] : memref<10112x64xf32, #tpu.memory_space<vmem_shared>> -> memref<128x64xf32, #tpu.memory_space<vmem_shared>>
      tpu.wait_dma2 semaphore(%run_scoped3A : memref<!tpu.dma_semaphore, #tpu.memory_space<semaphore_mem>>) src(%dma_wait3A_96 : memref<128x64xf32, #tpu.memory_space<vmem_shared>>) dst(%dma_wait3A_94 : memref<128x64xf32, #tpu.memory_space<vmem>>)
      tpu.yield
    }) : () -> ()
    %mul3A_38 = arith.constant 632 : i32
    %mul3A_39 = arith.muli %arg1, %mul3A_38 : i32
    %add3A_40 = arith.constant 0 : i32
    %add3A_41 = arith.addi %mul3A_39, %add3A_40 : i32
    "tpu.region"() ({
      %run_scoped3A = tpu.sem_alloc : memref<!tpu.dma_semaphore, #tpu.memory_space<semaphore_mem>>
      %dma_start3A = arith.constant 0 : i32
      %dma_start3A_79 = arith.constant 0 : i32
      %dma_start3A_80 = tpu.memref_slice %arg13[%dma_start3A, %dma_start3A_79] : memref<128x64xf32, #tpu.memory_space<vmem>> -> memref<128x64xf32, #tpu.memory_space<vmem>>
      %dma_start3A_81 = arith.constant 0 : i32
      %dma_start3A_82 = tpu.memref_slice %arg9[%arg0, %add3A_41, %dma_start3A_81] : memref<2x10112x64xf32, #tpu.memory_space<hbm>> -> memref<1x128x64xf32, #tpu.memory_space<hbm>>
      %dma_start3A_83 = tpu.memref_squeeze %dma_start3A_82 : memref<1x128x64xf32, #tpu.memory_space<hbm>> -> memref<128x64xf32, #tpu.memory_space<hbm>>
      %dma_start3A_84 = arith.constant 0 : i32
      %dma_start3A_85 = tpu.memref_slice %arg9[%arg0, %add3A_41, %dma_start3A_84] : memref<2x10112x64xf32, #tpu.memory_space<hbm>> -> memref<1x128x64xf32, #tpu.memory_space<hbm>>
      %dma_start3A_86 = tpu.memref_squeeze %dma_start3A_85 : memref<1x128x64xf32, #tpu.memory_space<hbm>> -> memref<128x64xf32, #tpu.memory_space<hbm>>
      %dma_start3A_87 = arith.constant 0 : i32
      %dma_start3A_88 = arith.constant 0 : i32
      %dma_start3A_89 = tpu.memref_slice %arg13[%dma_start3A_87, %dma_start3A_88] : memref<128x64xf32, #tpu.memory_space<vmem>> -> memref<128x64xf32, #tpu.memory_space<vmem>>
      tpu.enqueue_dma source(%dma_start3A_89 : memref<128x64xf32, #tpu.memory_space<vmem>>) target(%dma_start3A_86 : memref<128x64xf32, #tpu.memory_space<hbm>>) target_semaphore(%run_scoped3A : memref<!tpu.dma_semaphore, #tpu.memory_space<semaphore_mem>>)
      %dma_wait3A = arith.constant 0 : i32
      %dma_wait3A_90 = arith.constant 0 : i32
      %dma_wait3A_91 = tpu.memref_slice %arg13[%dma_wait3A, %dma_wait3A_90] : memref<128x64xf32, #tpu.memory_space<vmem>> -> memref<128x64xf32, #tpu.memory_space<vmem>>
      %dma_wait3A_92 = arith.constant 0 : i32
      %dma_wait3A_93 = tpu.memref_slice %arg9[%arg0, %add3A_41, %dma_wait3A_92] : memref<2x10112x64xf32, #tpu.memory_space<hbm>> -> memref<1x128x64xf32, #tpu.memory_space<hbm>>
      %dma_wait3A_94 = tpu.memref_squeeze %dma_wait3A_93 : memref<1x128x64xf32, #tpu.memory_space<hbm>> -> memref<128x64xf32, #tpu.memory_space<hbm>>
      %dma_wait3A_95 = arith.constant 0 : i32
      %dma_wait3A_96 = tpu.memref_slice %arg9[%arg0, %add3A_41, %dma_wait3A_95] : memref<2x10112x64xf32, #tpu.memory_space<hbm>> -> memref<1x128x64xf32, #tpu.memory_space<hbm>>
      %dma_wait3A_97 = tpu.memref_squeeze %dma_wait3A_96 : memref<1x128x64xf32, #tpu.memory_space<hbm>> -> memref<128x64xf32, #tpu.memory_space<hbm>>
      %dma_wait3A_98 = arith.constant 0 : i32
      %dma_wait3A_99 = arith.constant 0 : i32
      %dma_wait3A_100 = tpu.memref_slice %arg13[%dma_wait3A_98, %dma_wait3A_99] : memref<128x64xf32, #tpu.memory_space<vmem>> -> memref<128x64xf32, #tpu.memory_space<vmem>>
      tpu.wait_dma2 semaphore(%run_scoped3A : memref<!tpu.dma_semaphore, #tpu.memory_space<semaphore_mem>>) src(%dma_wait3A_100 : memref<128x64xf32, #tpu.memory_space<vmem>>) dst(%dma_wait3A_97 : memref<128x64xf32, #tpu.memory_space<hbm>>)
      tpu.yield
    }) : () -> ()
    %mul3A_42 = arith.constant 632 : i32
    %mul3A_43 = arith.muli %arg1, %mul3A_42 : i32
    %add3A_44 = arith.constant 128 : i32
    %add3A_45 = arith.addi %mul3A_43, %add3A_44 : i32
    "tpu.region"() ({
      %run_scoped3A = tpu.sem_alloc : memref<!tpu.dma_semaphore, #tpu.memory_space<semaphore_mem>>
      %dma_start3A = arith.constant 0 : i32
      %dma_start3A_79 = arith.constant 0 : i32
      %dma_start3A_80 = tpu.memref_slice %arg13[%dma_start3A, %dma_start3A_79] : memref<128x64xf32, #tpu.memory_space<vmem>> -> memref<128x64xf32, #tpu.memory_space<vmem>>
      %dma_start3A_81 = arith.constant 0 : i32
      %dma_start3A_82 = tpu.memref_slice %arg16[%add3A_45, %dma_start3A_81] : memref<10112x64xf32, #tpu.memory_space<vmem_shared>> -> memref<128x64xf32, #tpu.memory_space<vmem_shared>>
      %dma_start3A_83 = arith.constant 0 : i32
      %dma_start3A_84 = arith.constant 0 : i32
      %dma_start3A_85 = tpu.memref_slice %arg13[%dma_start3A_83, %dma_start3A_84] : memref<128x64xf32, #tpu.memory_space<vmem>> -> memref<128x64xf32, #tpu.memory_space<vmem>>
      %dma_start3A_86 = arith.constant 0 : i32
      %dma_start3A_87 = tpu.memref_slice %arg16[%add3A_45, %dma_start3A_86] : memref<10112x64xf32, #tpu.memory_space<vmem_shared>> -> memref<128x64xf32, #tpu.memory_space<vmem_shared>>
      tpu.enqueue_dma source(%dma_start3A_87 : memref<128x64xf32, #tpu.memory_space<vmem_shared>>) target(%dma_start3A_85 : memref<128x64xf32, #tpu.memory_space<vmem>>) target_semaphore(%run_scoped3A : memref<!tpu.dma_semaphore, #tpu.memory_space<semaphore_mem>>)
      %dma_wait3A = arith.constant 0 : i32
      %dma_wait3A_88 = arith.constant 0 : i32
      %dma_wait3A_89 = tpu.memref_slice %arg13[%dma_wait3A, %dma_wait3A_88] : memref<128x64xf32, #tpu.memory_space<vmem>> -> memref<128x64xf32, #tpu.memory_space<vmem>>
      %dma_wait3A_90 = arith.constant 0 : i32
      %dma_wait3A_91 = tpu.memref_slice %arg16[%add3A_45, %dma_wait3A_90] : memref<10112x64xf32, #tpu.memory_space<vmem_shared>> -> memref<128x64xf32, #tpu.memory_space<vmem_shared>>
      %dma_wait3A_92 = arith.constant 0 : i32
      %dma_wait3A_93 = arith.constant 0 : i32
      %dma_wait3A_94 = tpu.memref_slice %arg13[%dma_wait3A_92, %dma_wait3A_93] : memref<128x64xf32, #tpu.memory_space<vmem>> -> memref<128x64xf32, #tpu.memory_space<vmem>>
      %dma_wait3A_95 = arith.constant 0 : i32
      %dma_wait3A_96 = tpu.memref_slice %arg16[%add3A_45, %dma_wait3A_95] : memref<10112x64xf32, #tpu.memory_space<vmem_shared>> -> memref<128x64xf32, #tpu.memory_space<vmem_shared>>
      tpu.wait_dma2 semaphore(%run_scoped3A : memref<!tpu.dma_semaphore, #tpu.memory_space<semaphore_mem>>) src(%dma_wait3A_96 : memref<128x64xf32, #tpu.memory_space<vmem_shared>>) dst(%dma_wait3A_94 : memref<128x64xf32, #tpu.memory_space<vmem>>)
      tpu.yield
    }) : () -> ()
    %mul3A_46 = arith.constant 632 : i32
    %mul3A_47 = arith.muli %arg1, %mul3A_46 : i32
    %add3A_48 = arith.constant 128 : i32
    %add3A_49 = arith.addi %mul3A_47, %add3A_48 : i32
    "tpu.region"() ({
      %run_scoped3A = tpu.sem_alloc : memref<!tpu.dma_semaphore, #tpu.memory_space<semaphore_mem>>
      %dma_start3A = arith.constant 0 : i32
      %dma_start3A_79 = arith.constant 0 : i32
      %dma_start3A_80 = tpu.memref_slice %arg13[%dma_start3A, %dma_start3A_79] : memref<128x64xf32, #tpu.memory_space<vmem>> -> memref<128x64xf32, #tpu.memory_space<vmem>>
      %dma_start3A_81 = arith.constant 0 : i32
      %dma_start3A_82 = tpu.memref_slice %arg9[%arg0, %add3A_49, %dma_start3A_81] : memref<2x10112x64xf32, #tpu.memory_space<hbm>> -> memref<1x128x64xf32, #tpu.memory_space<hbm>>
      %dma_start3A_83 = tpu.memref_squeeze %dma_start3A_82 : memref<1x128x64xf32, #tpu.memory_space<hbm>> -> memref<128x64xf32, #tpu.memory_space<hbm>>
      %dma_start3A_84 = arith.constant 0 : i32
      %dma_start3A_85 = tpu.memref_slice %arg9[%arg0, %add3A_49, %dma_start3A_84] : memref<2x10112x64xf32, #tpu.memory_space<hbm>> -> memref<1x128x64xf32, #tpu.memory_space<hbm>>
      %dma_start3A_86 = tpu.memref_squeeze %dma_start3A_85 : memref<1x128x64xf32, #tpu.memory_space<hbm>> -> memref<128x64xf32, #tpu.memory_space<hbm>>
      %dma_start3A_87 = arith.constant 0 : i32
      %dma_start3A_88 = arith.constant 0 : i32
      %dma_start3A_89 = tpu.memref_slice %arg13[%dma_start3A_87, %dma_start3A_88] : memref<128x64xf32, #tpu.memory_space<vmem>> -> memref<128x64xf32, #tpu.memory_space<vmem>>
      tpu.enqueue_dma source(%dma_start3A_89 : memref<128x64xf32, #tpu.memory_space<vmem>>) target(%dma_start3A_86 : memref<128x64xf32, #tpu.memory_space<hbm>>) target_semaphore(%run_scoped3A : memref<!tpu.dma_semaphore, #tpu.memory_space<semaphore_mem>>)
      %dma_wait3A = arith.constant 0 : i32
      %dma_wait3A_90 = arith.constant 0 : i32
      %dma_wait3A_91 = tpu.memref_slice %arg13[%dma_wait3A, %dma_wait3A_90] : memref<128x64xf32, #tpu.memory_space<vmem>> -> memref<128x64xf32, #tpu.memory_space<vmem>>
      %dma_wait3A_92 = arith.constant 0 : i32
      %dma_wait3A_93 = tpu.memref_slice %arg9[%arg0, %add3A_49, %dma_wait3A_92] : memref<2x10112x64xf32, #tpu.memory_space<hbm>> -> memref<1x128x64xf32, #tpu.memory_space<hbm>>
      %dma_wait3A_94 = tpu.memref_squeeze %dma_wait3A_93 : memref<1x128x64xf32, #tpu.memory_space<hbm>> -> memref<128x64xf32, #tpu.memory_space<hbm>>
      %dma_wait3A_95 = arith.constant 0 : i32
      %dma_wait3A_96 = tpu.memref_slice %arg9[%arg0, %add3A_49, %dma_wait3A_95] : memref<2x10112x64xf32, #tpu.memory_space<hbm>> -> memref<1x128x64xf32, #tpu.memory_space<hbm>>
      %dma_wait3A_97 = tpu.memref_squeeze %dma_wait3A_96 : memref<1x128x64xf32, #tpu.memory_space<hbm>> -> memref<128x64xf32, #tpu.memory_space<hbm>>
      %dma_wait3A_98 = arith.constant 0 : i32
      %dma_wait3A_99 = arith.constant 0 : i32
      %dma_wait3A_100 = tpu.memref_slice %arg13[%dma_wait3A_98, %dma_wait3A_99] : memref<128x64xf32, #tpu.memory_space<vmem>> -> memref<128x64xf32, #tpu.memory_space<vmem>>
      tpu.wait_dma2 semaphore(%run_scoped3A : memref<!tpu.dma_semaphore, #tpu.memory_space<semaphore_mem>>) src(%dma_wait3A_100 : memref<128x64xf32, #tpu.memory_space<vmem>>) dst(%dma_wait3A_97 : memref<128x64xf32, #tpu.memory_space<hbm>>)
      tpu.yield
    }) : () -> ()
    %mul3A_50 = arith.constant 632 : i32
    %mul3A_51 = arith.muli %arg1, %mul3A_50 : i32
    %add3A_52 = arith.constant 256 : i32
    %add3A_53 = arith.addi %mul3A_51, %add3A_52 : i32
    "tpu.region"() ({
      %run_scoped3A = tpu.sem_alloc : memref<!tpu.dma_semaphore, #tpu.memory_space<semaphore_mem>>
      %dma_start3A = arith.constant 0 : i32
      %dma_start3A_79 = arith.constant 0 : i32
      %dma_start3A_80 = tpu.memref_slice %arg13[%dma_start3A, %dma_start3A_79] : memref<128x64xf32, #tpu.memory_space<vmem>> -> memref<128x64xf32, #tpu.memory_space<vmem>>
      %dma_start3A_81 = arith.constant 0 : i32
      %dma_start3A_82 = tpu.memref_slice %arg16[%add3A_53, %dma_start3A_81] : memref<10112x64xf32, #tpu.memory_space<vmem_shared>> -> memref<128x64xf32, #tpu.memory_space<vmem_shared>>
      %dma_start3A_83 = arith.constant 0 : i32
      %dma_start3A_84 = arith.constant 0 : i32
      %dma_start3A_85 = tpu.memref_slice %arg13[%dma_start3A_83, %dma_start3A_84] : memref<128x64xf32, #tpu.memory_space<vmem>> -> memref<128x64xf32, #tpu.memory_space<vmem>>
      %dma_start3A_86 = arith.constant 0 : i32
      %dma_start3A_87 = tpu.memref_slice %arg16[%add3A_53, %dma_start3A_86] : memref<10112x64xf32, #tpu.memory_space<vmem_shared>> -> memref<128x64xf32, #tpu.memory_space<vmem_shared>>
      tpu.enqueue_dma source(%dma_start3A_87 : memref<128x64xf32, #tpu.memory_space<vmem_shared>>) target(%dma_start3A_85 : memref<128x64xf32, #tpu.memory_space<vmem>>) target_semaphore(%run_scoped3A : memref<!tpu.dma_semaphore, #tpu.memory_space<semaphore_mem>>)
      %dma_wait3A = arith.constant 0 : i32
      %dma_wait3A_88 = arith.constant 0 : i32
      %dma_wait3A_89 = tpu.memref_slice %arg13[%dma_wait3A, %dma_wait3A_88] : memref<128x64xf32, #tpu.memory_space<vmem>> -> memref<128x64xf32, #tpu.memory_space<vmem>>
      %dma_wait3A_90 = arith.constant 0 : i32
      %dma_wait3A_91 = tpu.memref_slice %arg16[%add3A_53, %dma_wait3A_90] : memref<10112x64xf32, #tpu.memory_space<vmem_shared>> -> memref<128x64xf32, #tpu.memory_space<vmem_shared>>
      %dma_wait3A_92 = arith.constant 0 : i32
      %dma_wait3A_93 = arith.constant 0 : i32
      %dma_wait3A_94 = tpu.memref_slice %arg13[%dma_wait3A_92, %dma_wait3A_93] : memref<128x64xf32, #tpu.memory_space<vmem>> -> memref<128x64xf32, #tpu.memory_space<vmem>>
      %dma_wait3A_95 = arith.constant 0 : i32
      %dma_wait3A_96 = tpu.memref_slice %arg16[%add3A_53, %dma_wait3A_95] : memref<10112x64xf32, #tpu.memory_space<vmem_shared>> -> memref<128x64xf32, #tpu.memory_space<vmem_shared>>
      tpu.wait_dma2 semaphore(%run_scoped3A : memref<!tpu.dma_semaphore, #tpu.memory_space<semaphore_mem>>) src(%dma_wait3A_96 : memref<128x64xf32, #tpu.memory_space<vmem_shared>>) dst(%dma_wait3A_94 : memref<128x64xf32, #tpu.memory_space<vmem>>)
      tpu.yield
    }) : () -> ()
    %mul3A_54 = arith.constant 632 : i32
    %mul3A_55 = arith.muli %arg1, %mul3A_54 : i32
    %add3A_56 = arith.constant 256 : i32
    %add3A_57 = arith.addi %mul3A_55, %add3A_56 : i32
    "tpu.region"() ({
      %run_scoped3A = tpu.sem_alloc : memref<!tpu.dma_semaphore, #tpu.memory_space<semaphore_mem>>
      %dma_start3A = arith.constant 0 : i32
      %dma_start3A_79 = arith.constant 0 : i32
      %dma_start3A_80 = tpu.memref_slice %arg13[%dma_start3A, %dma_start3A_79] : memref<128x64xf32, #tpu.memory_space<vmem>> -> memref<128x64xf32, #tpu.memory_space<vmem>>
      %dma_start3A_81 = arith.constant 0 : i32
      %dma_start3A_82 = tpu.memref_slice %arg9[%arg0, %add3A_57, %dma_start3A_81] : memref<2x10112x64xf32, #tpu.memory_space<hbm>> -> memref<1x128x64xf32, #tpu.memory_space<hbm>>
      %dma_start3A_83 = tpu.memref_squeeze %dma_start3A_82 : memref<1x128x64xf32, #tpu.memory_space<hbm>> -> memref<128x64xf32, #tpu.memory_space<hbm>>
      %dma_start3A_84 = arith.constant 0 : i32
      %dma_start3A_85 = tpu.memref_slice %arg9[%arg0, %add3A_57, %dma_start3A_84] : memref<2x10112x64xf32, #tpu.memory_space<hbm>> -> memref<1x128x64xf32, #tpu.memory_space<hbm>>
      %dma_start3A_86 = tpu.memref_squeeze %dma_start3A_85 : memref<1x128x64xf32, #tpu.memory_space<hbm>> -> memref<128x64xf32, #tpu.memory_space<hbm>>
      %dma_start3A_87 = arith.constant 0 : i32
      %dma_start3A_88 = arith.constant 0 : i32
      %dma_start3A_89 = tpu.memref_slice %arg13[%dma_start3A_87, %dma_start3A_88] : memref<128x64xf32, #tpu.memory_space<vmem>> -> memref<128x64xf32, #tpu.memory_space<vmem>>
      tpu.enqueue_dma source(%dma_start3A_89 : memref<128x64xf32, #tpu.memory_space<vmem>>) target(%dma_start3A_86 : memref<128x64xf32, #tpu.memory_space<hbm>>) target_semaphore(%run_scoped3A : memref<!tpu.dma_semaphore, #tpu.memory_space<semaphore_mem>>)
      %dma_wait3A = arith.constant 0 : i32
      %dma_wait3A_90 = arith.constant 0 : i32
      %dma_wait3A_91 = tpu.memref_slice %arg13[%dma_wait3A, %dma_wait3A_90] : memref<128x64xf32, #tpu.memory_space<vmem>> -> memref<128x64xf32, #tpu.memory_space<vmem>>
      %dma_wait3A_92 = arith.constant 0 : i32
      %dma_wait3A_93 = tpu.memref_slice %arg9[%arg0, %add3A_57, %dma_wait3A_92] : memref<2x10112x64xf32, #tpu.memory_space<hbm>> -> memref<1x128x64xf32, #tpu.memory_space<hbm>>
      %dma_wait3A_94 = tpu.memref_squeeze %dma_wait3A_93 : memref<1x128x64xf32, #tpu.memory_space<hbm>> -> memref<128x64xf32, #tpu.memory_space<hbm>>
      %dma_wait3A_95 = arith.constant 0 : i32
      %dma_wait3A_96 = tpu.memref_slice %arg9[%arg0, %add3A_57, %dma_wait3A_95] : memref<2x10112x64xf32, #tpu.memory_space<hbm>> -> memref<1x128x64xf32, #tpu.memory_space<hbm>>
      %dma_wait3A_97 = tpu.memref_squeeze %dma_wait3A_96 : memref<1x128x64xf32, #tpu.memory_space<hbm>> -> memref<128x64xf32, #tpu.memory_space<hbm>>
      %dma_wait3A_98 = arith.constant 0 : i32
      %dma_wait3A_99 = arith.constant 0 : i32
      %dma_wait3A_100 = tpu.memref_slice %arg13[%dma_wait3A_98, %dma_wait3A_99] : memref<128x64xf32, #tpu.memory_space<vmem>> -> memref<128x64xf32, #tpu.memory_space<vmem>>
      tpu.wait_dma2 semaphore(%run_scoped3A : memref<!tpu.dma_semaphore, #tpu.memory_space<semaphore_mem>>) src(%dma_wait3A_100 : memref<128x64xf32, #tpu.memory_space<vmem>>) dst(%dma_wait3A_97 : memref<128x64xf32, #tpu.memory_space<hbm>>)
      tpu.yield
    }) : () -> ()
    %mul3A_58 = arith.constant 632 : i32
    %mul3A_59 = arith.muli %arg1, %mul3A_58 : i32
    %add3A_60 = arith.constant 384 : i32
    %add3A_61 = arith.addi %mul3A_59, %add3A_60 : i32
    "tpu.region"() ({
      %run_scoped3A = tpu.sem_alloc : memref<!tpu.dma_semaphore, #tpu.memory_space<semaphore_mem>>
      %dma_start3A = arith.constant 0 : i32
      %dma_start3A_79 = arith.constant 0 : i32
      %dma_start3A_80 = tpu.memref_slice %arg13[%dma_start3A, %dma_start3A_79] : memref<128x64xf32, #tpu.memory_space<vmem>> -> memref<128x64xf32, #tpu.memory_space<vmem>>
      %dma_start3A_81 = arith.constant 0 : i32
      %dma_start3A_82 = tpu.memref_slice %arg16[%add3A_61, %dma_start3A_81] : memref<10112x64xf32, #tpu.memory_space<vmem_shared>> -> memref<128x64xf32, #tpu.memory_space<vmem_shared>>
      %dma_start3A_83 = arith.constant 0 : i32
      %dma_start3A_84 = arith.constant 0 : i32
      %dma_start3A_85 = tpu.memref_slice %arg13[%dma_start3A_83, %dma_start3A_84] : memref<128x64xf32, #tpu.memory_space<vmem>> -> memref<128x64xf32, #tpu.memory_space<vmem>>
      %dma_start3A_86 = arith.constant 0 : i32
      %dma_start3A_87 = tpu.memref_slice %arg16[%add3A_61, %dma_start3A_86] : memref<10112x64xf32, #tpu.memory_space<vmem_shared>> -> memref<128x64xf32, #tpu.memory_space<vmem_shared>>
      tpu.enqueue_dma source(%dma_start3A_87 : memref<128x64xf32, #tpu.memory_space<vmem_shared>>) target(%dma_start3A_85 : memref<128x64xf32, #tpu.memory_space<vmem>>) target_semaphore(%run_scoped3A : memref<!tpu.dma_semaphore, #tpu.memory_space<semaphore_mem>>)
      %dma_wait3A = arith.constant 0 : i32
      %dma_wait3A_88 = arith.constant 0 : i32
      %dma_wait3A_89 = tpu.memref_slice %arg13[%dma_wait3A, %dma_wait3A_88] : memref<128x64xf32, #tpu.memory_space<vmem>> -> memref<128x64xf32, #tpu.memory_space<vmem>>
      %dma_wait3A_90 = arith.constant 0 : i32
      %dma_wait3A_91 = tpu.memref_slice %arg16[%add3A_61, %dma_wait3A_90] : memref<10112x64xf32, #tpu.memory_space<vmem_shared>> -> memref<128x64xf32, #tpu.memory_space<vmem_shared>>
      %dma_wait3A_92 = arith.constant 0 : i32
      %dma_wait3A_93 = arith.constant 0 : i32
      %dma_wait3A_94 = tpu.memref_slice %arg13[%dma_wait3A_92, %dma_wait3A_93] : memref<128x64xf32, #tpu.memory_space<vmem>> -> memref<128x64xf32, #tpu.memory_space<vmem>>
      %dma_wait3A_95 = arith.constant 0 : i32
      %dma_wait3A_96 = tpu.memref_slice %arg16[%add3A_61, %dma_wait3A_95] : memref<10112x64xf32, #tpu.memory_space<vmem_shared>> -> memref<128x64xf32, #tpu.memory_space<vmem_shared>>
      tpu.wait_dma2 semaphore(%run_scoped3A : memref<!tpu.dma_semaphore, #tpu.memory_space<semaphore_mem>>) src(%dma_wait3A_96 : memref<128x64xf32, #tpu.memory_space<vmem_shared>>) dst(%dma_wait3A_94 : memref<128x64xf32, #tpu.memory_space<vmem>>)
      tpu.yield
    }) : () -> ()
    %mul3A_62 = arith.constant 632 : i32
    %mul3A_63 = arith.muli %arg1, %mul3A_62 : i32
    %add3A_64 = arith.constant 384 : i32
    %add3A_65 = arith.addi %mul3A_63, %add3A_64 : i32
    "tpu.region"() ({
      %run_scoped3A = tpu.sem_alloc : memref<!tpu.dma_semaphore, #tpu.memory_space<semaphore_mem>>
      %dma_start3A = arith.constant 0 : i32
      %dma_start3A_79 = arith.constant 0 : i32
      %dma_start3A_80 = tpu.memref_slice %arg13[%dma_start3A, %dma_start3A_79] : memref<128x64xf32, #tpu.memory_space<vmem>> -> memref<128x64xf32, #tpu.memory_space<vmem>>
      %dma_start3A_81 = arith.constant 0 : i32
      %dma_start3A_82 = tpu.memref_slice %arg9[%arg0, %add3A_65, %dma_start3A_81] : memref<2x10112x64xf32, #tpu.memory_space<hbm>> -> memref<1x128x64xf32, #tpu.memory_space<hbm>>
      %dma_start3A_83 = tpu.memref_squeeze %dma_start3A_82 : memref<1x128x64xf32, #tpu.memory_space<hbm>> -> memref<128x64xf32, #tpu.memory_space<hbm>>
      %dma_start3A_84 = arith.constant 0 : i32
      %dma_start3A_85 = tpu.memref_slice %arg9[%arg0, %add3A_65, %dma_start3A_84] : memref<2x10112x64xf32, #tpu.memory_space<hbm>> -> memref<1x128x64xf32, #tpu.memory_space<hbm>>
      %dma_start3A_86 = tpu.memref_squeeze %dma_start3A_85 : memref<1x128x64xf32, #tpu.memory_space<hbm>> -> memref<128x64xf32, #tpu.memory_space<hbm>>
      %dma_start3A_87 = arith.constant 0 : i32
      %dma_start3A_88 = arith.constant 0 : i32
      %dma_start3A_89 = tpu.memref_slice %arg13[%dma_start3A_87, %dma_start3A_88] : memref<128x64xf32, #tpu.memory_space<vmem>> -> memref<128x64xf32, #tpu.memory_space<vmem>>
      tpu.enqueue_dma source(%dma_start3A_89 : memref<128x64xf32, #tpu.memory_space<vmem>>) target(%dma_start3A_86 : memref<128x64xf32, #tpu.memory_space<hbm>>) target_semaphore(%run_scoped3A : memref<!tpu.dma_semaphore, #tpu.memory_space<semaphore_mem>>)
      %dma_wait3A = arith.constant 0 : i32
      %dma_wait3A_90 = arith.constant 0 : i32
      %dma_wait3A_91 = tpu.memref_slice %arg13[%dma_wait3A, %dma_wait3A_90] : memref<128x64xf32, #tpu.memory_space<vmem>> -> memref<128x64xf32, #tpu.memory_space<vmem>>
      %dma_wait3A_92 = arith.constant 0 : i32
      %dma_wait3A_93 = tpu.memref_slice %arg9[%arg0, %add3A_65, %dma_wait3A_92] : memref<2x10112x64xf32, #tpu.memory_space<hbm>> -> memref<1x128x64xf32, #tpu.memory_space<hbm>>
      %dma_wait3A_94 = tpu.memref_squeeze %dma_wait3A_93 : memref<1x128x64xf32, #tpu.memory_space<hbm>> -> memref<128x64xf32, #tpu.memory_space<hbm>>
      %dma_wait3A_95 = arith.constant 0 : i32
      %dma_wait3A_96 = tpu.memref_slice %arg9[%arg0, %add3A_65, %dma_wait3A_95] : memref<2x10112x64xf32, #tpu.memory_space<hbm>> -> memref<1x128x64xf32, #tpu.memory_space<hbm>>
      %dma_wait3A_97 = tpu.memref_squeeze %dma_wait3A_96 : memref<1x128x64xf32, #tpu.memory_space<hbm>> -> memref<128x64xf32, #tpu.memory_space<hbm>>
      %dma_wait3A_98 = arith.constant 0 : i32
      %dma_wait3A_99 = arith.constant 0 : i32
      %dma_wait3A_100 = tpu.memref_slice %arg13[%dma_wait3A_98, %dma_wait3A_99] : memref<128x64xf32, #tpu.memory_space<vmem>> -> memref<128x64xf32, #tpu.memory_space<vmem>>
      tpu.wait_dma2 semaphore(%run_scoped3A : memref<!tpu.dma_semaphore, #tpu.memory_space<semaphore_mem>>) src(%dma_wait3A_100 : memref<128x64xf32, #tpu.memory_space<vmem>>) dst(%dma_wait3A_97 : memref<128x64xf32, #tpu.memory_space<hbm>>)
      tpu.yield
    }) : () -> ()
    %mul3A_66 = arith.constant 632 : i32
    %mul3A_67 = arith.muli %arg1, %mul3A_66 : i32
    %add3A_68 = arith.constant 512 : i32
    %add3A_69 = arith.addi %mul3A_67, %add3A_68 : i32
    "tpu.region"() ({
      %run_scoped3A = tpu.sem_alloc : memref<!tpu.dma_semaphore, #tpu.memory_space<semaphore_mem>>
      %dma_start3A = arith.constant 0 : i32
      %dma_start3A_79 = arith.constant 0 : i32
      %dma_start3A_80 = tpu.memref_slice %arg13[%dma_start3A, %dma_start3A_79] : memref<128x64xf32, #tpu.memory_space<vmem>> -> memref<120x64xf32, #tpu.memory_space<vmem>>
      %dma_start3A_81 = arith.constant 0 : i32
      %dma_start3A_82 = tpu.memref_slice %arg16[%add3A_69, %dma_start3A_81] : memref<10112x64xf32, #tpu.memory_space<vmem_shared>> -> memref<120x64xf32, #tpu.memory_space<vmem_shared>>
      %dma_start3A_83 = arith.constant 0 : i32
      %dma_start3A_84 = arith.constant 0 : i32
      %dma_start3A_85 = tpu.memref_slice %arg13[%dma_start3A_83, %dma_start3A_84] : memref<128x64xf32, #tpu.memory_space<vmem>> -> memref<120x64xf32, #tpu.memory_space<vmem>>
      %dma_start3A_86 = arith.constant 0 : i32
      %dma_start3A_87 = tpu.memref_slice %arg16[%add3A_69, %dma_start3A_86] : memref<10112x64xf32, #tpu.memory_space<vmem_shared>> -> memref<120x64xf32, #tpu.memory_space<vmem_shared>>
      tpu.enqueue_dma source(%dma_start3A_87 : memref<120x64xf32, #tpu.memory_space<vmem_shared>>) target(%dma_start3A_85 : memref<120x64xf32, #tpu.memory_space<vmem>>) target_semaphore(%run_scoped3A : memref<!tpu.dma_semaphore, #tpu.memory_space<semaphore_mem>>)
      %dma_wait3A = arith.constant 0 : i32
      %dma_wait3A_88 = arith.constant 0 : i32
      %dma_wait3A_89 = tpu.memref_slice %arg13[%dma_wait3A, %dma_wait3A_88] : memref<128x64xf32, #tpu.memory_space<vmem>> -> memref<120x64xf32, #tpu.memory_space<vmem>>
      %dma_wait3A_90 = arith.constant 0 : i32
      %dma_wait3A_91 = tpu.memref_slice %arg16[%add3A_69, %dma_wait3A_90] : memref<10112x64xf32, #tpu.memory_space<vmem_shared>> -> memref<120x64xf32, #tpu.memory_space<vmem_shared>>
      %dma_wait3A_92 = arith.constant 0 : i32
      %dma_wait3A_93 = arith.constant 0 : i32
      %dma_wait3A_94 = tpu.memref_slice %arg13[%dma_wait3A_92, %dma_wait3A_93] : memref<128x64xf32, #tpu.memory_space<vmem>> -> memref<120x64xf32, #tpu.memory_space<vmem>>
      %dma_wait3A_95 = arith.constant 0 : i32
      %dma_wait3A_96 = tpu.memref_slice %arg16[%add3A_69, %dma_wait3A_95] : memref<10112x64xf32, #tpu.memory_space<vmem_shared>> -> memref<120x64xf32, #tpu.memory_space<vmem_shared>>
      tpu.wait_dma2 semaphore(%run_scoped3A : memref<!tpu.dma_semaphore, #tpu.memory_space<semaphore_mem>>) src(%dma_wait3A_96 : memref<120x64xf32, #tpu.memory_space<vmem_shared>>) dst(%dma_wait3A_94 : memref<120x64xf32, #tpu.memory_space<vmem>>)
      tpu.yield
    }) : () -> ()
    %mul3A_70 = arith.constant 632 : i32
    %mul3A_71 = arith.muli %arg1, %mul3A_70 : i32
    %add3A_72 = arith.constant 512 : i32
    %add3A_73 = arith.addi %mul3A_71, %add3A_72 : i32
    "tpu.region"() ({
      %run_scoped3A = tpu.sem_alloc : memref<!tpu.dma_semaphore, #tpu.memory_space<semaphore_mem>>
      %dma_start3A = arith.constant 0 : i32
      %dma_start3A_79 = arith.constant 0 : i32
      %dma_start3A_80 = tpu.memref_slice %arg13[%dma_start3A, %dma_start3A_79] : memref<128x64xf32, #tpu.memory_space<vmem>> -> memref<120x64xf32, #tpu.memory_space<vmem>>
      %dma_start3A_81 = arith.constant 0 : i32
      %dma_start3A_82 = tpu.memref_slice %arg9[%arg0, %add3A_73, %dma_start3A_81] : memref<2x10112x64xf32, #tpu.memory_space<hbm>> -> memref<1x120x64xf32, #tpu.memory_space<hbm>>
      %dma_start3A_83 = tpu.memref_squeeze %dma_start3A_82 : memref<1x120x64xf32, #tpu.memory_space<hbm>> -> memref<120x64xf32, #tpu.memory_space<hbm>>
      %dma_start3A_84 = arith.constant 0 : i32
      %dma_start3A_85 = tpu.memref_slice %arg9[%arg0, %add3A_73, %dma_start3A_84] : memref<2x10112x64xf32, #tpu.memory_space<hbm>> -> memref<1x120x64xf32, #tpu.memory_space<hbm>>
      %dma_start3A_86 = tpu.memref_squeeze %dma_start3A_85 : memref<1x120x64xf32, #tpu.memory_space<hbm>> -> memref<120x64xf32, #tpu.memory_space<hbm>>
      %dma_start3A_87 = arith.constant 0 : i32
      %dma_start3A_88 = arith.constant 0 : i32
      %dma_start3A_89 = tpu.memref_slice %arg13[%dma_start3A_87, %dma_start3A_88] : memref<128x64xf32, #tpu.memory_space<vmem>> -> memref<120x64xf32, #tpu.memory_space<vmem>>
      tpu.enqueue_dma source(%dma_start3A_89 : memref<120x64xf32, #tpu.memory_space<vmem>>) target(%dma_start3A_86 : memref<120x64xf32, #tpu.memory_space<hbm>>) target_semaphore(%run_scoped3A : memref<!tpu.dma_semaphore, #tpu.memory_space<semaphore_mem>>)
      %dma_wait3A = arith.constant 0 : i32
      %dma_wait3A_90 = arith.constant 0 : i32
      %dma_wait3A_91 = tpu.memref_slice %arg13[%dma_wait3A, %dma_wait3A_90] : memref<128x64xf32, #tpu.memory_space<vmem>> -> memref<120x64xf32, #tpu.memory_space<vmem>>
      %dma_wait3A_92 = arith.constant 0 : i32
      %dma_wait3A_93 = tpu.memref_slice %arg9[%arg0, %add3A_73, %dma_wait3A_92] : memref<2x10112x64xf32, #tpu.memory_space<hbm>> -> memref<1x120x64xf32, #tpu.memory_space<hbm>>
      %dma_wait3A_94 = tpu.memref_squeeze %dma_wait3A_93 : memref<1x120x64xf32, #tpu.memory_space<hbm>> -> memref<120x64xf32, #tpu.memory_space<hbm>>
      %dma_wait3A_95 = arith.constant 0 : i32
      %dma_wait3A_96 = tpu.memref_slice %arg9[%arg0, %add3A_73, %dma_wait3A_95] : memref<2x10112x64xf32, #tpu.memory_space<hbm>> -> memref<1x120x64xf32, #tpu.memory_space<hbm>>
      %dma_wait3A_97 = tpu.memref_squeeze %dma_wait3A_96 : memref<1x120x64xf32, #tpu.memory_space<hbm>> -> memref<120x64xf32, #tpu.memory_space<hbm>>
      %dma_wait3A_98 = arith.constant 0 : i32
      %dma_wait3A_99 = arith.constant 0 : i32
      %dma_wait3A_100 = tpu.memref_slice %arg13[%dma_wait3A_98, %dma_wait3A_99] : memref<128x64xf32, #tpu.memory_space<vmem>> -> memref<120x64xf32, #tpu.memory_space<vmem>>
      tpu.wait_dma2 semaphore(%run_scoped3A : memref<!tpu.dma_semaphore, #tpu.memory_space<semaphore_mem>>) src(%dma_wait3A_100 : memref<120x64xf32, #tpu.memory_space<vmem>>) dst(%dma_wait3A_97 : memref<120x64xf32, #tpu.memory_space<hbm>>)
      tpu.yield
    }) : () -> ()
    %eq3A_74 = arith.constant 1 : i32
    %eq3A_75 = arith.cmpi eq, %arg0, %eq3A_74 : i32
    %convert_element_type3A_76 = arith.extui %eq3A_75 : i1 to i32
    %cond3A_77 = arith.constant 0 : i32
    %cond3A_78 = arith.cmpi ne, %convert_element_type3A_76, %cond3A_77 : i32
    scf.if %cond3A_78 {
      %mul3A_79 = arith.constant 632 : i32
      %mul3A_80 = arith.muli %arg1, %mul3A_79 : i32
      %add3A_81 = arith.constant 0 : i32
      %add3A_82 = arith.addi %mul3A_80, %add3A_81 : i32
      "tpu.region"() ({
        %run_scoped3A = tpu.sem_alloc : memref<!tpu.dma_semaphore, #tpu.memory_space<semaphore_mem>>
        %dma_start3A = arith.constant 0 : i32
        %dma_start3A_119 = arith.constant 0 : i32
        %dma_start3A_120 = tpu.memref_slice %arg15[%dma_start3A, %dma_start3A_119] : memref<128x8xf32, #tpu.memory_space<vmem>> -> memref<128x8xf32, #tpu.memory_space<vmem>>
        %dma_start3A_121 = arith.constant 0 : i32
        %dma_start3A_122 = tpu.memref_slice %arg17[%add3A_82, %dma_start3A_121] : memref<10112x8xf32, #tpu.memory_space<vmem_shared>> -> memref<128x8xf32, #tpu.memory_space<vmem_shared>>
        %dma_start3A_123 = arith.constant 0 : i32
        %dma_start3A_124 = arith.constant 0 : i32
        %dma_start3A_125 = tpu.memref_slice %arg15[%dma_start3A_123, %dma_start3A_124] : memref<128x8xf32, #tpu.memory_space<vmem>> -> memref<128x8xf32, #tpu.memory_space<vmem>>
        %dma_start3A_126 = arith.constant 0 : i32
        %dma_start3A_127 = tpu.memref_slice %arg17[%add3A_82, %dma_start3A_126] : memref<10112x8xf32, #tpu.memory_space<vmem_shared>> -> memref<128x8xf32, #tpu.memory_space<vmem_shared>>
        tpu.enqueue_dma source(%dma_start3A_127 : memref<128x8xf32, #tpu.memory_space<vmem_shared>>) target(%dma_start3A_125 : memref<128x8xf32, #tpu.memory_space<vmem>>) target_semaphore(%run_scoped3A : memref<!tpu.dma_semaphore, #tpu.memory_space<semaphore_mem>>)
        %dma_wait3A = arith.constant 0 : i32
        %dma_wait3A_128 = arith.constant 0 : i32
        %dma_wait3A_129 = tpu.memref_slice %arg15[%dma_wait3A, %dma_wait3A_128] : memref<128x8xf32, #tpu.memory_space<vmem>> -> memref<128x8xf32, #tpu.memory_space<vmem>>
        %dma_wait3A_130 = arith.constant 0 : i32
        %dma_wait3A_131 = tpu.memref_slice %arg17[%add3A_82, %dma_wait3A_130] : memref<10112x8xf32, #tpu.memory_space<vmem_shared>> -> memref<128x8xf32, #tpu.memory_space<vmem_shared>>
        %dma_wait3A_132 = arith.constant 0 : i32
        %dma_wait3A_133 = arith.constant 0 : i32
        %dma_wait3A_134 = tpu.memref_slice %arg15[%dma_wait3A_132, %dma_wait3A_133] : memref<128x8xf32, #tpu.memory_space<vmem>> -> memref<128x8xf32, #tpu.memory_space<vmem>>
        %dma_wait3A_135 = arith.constant 0 : i32
        %dma_wait3A_136 = tpu.memref_slice %arg17[%add3A_82, %dma_wait3A_135] : memref<10112x8xf32, #tpu.memory_space<vmem_shared>> -> memref<128x8xf32, #tpu.memory_space<vmem_shared>>
        tpu.wait_dma2 semaphore(%run_scoped3A : memref<!tpu.dma_semaphore, #tpu.memory_space<semaphore_mem>>) src(%dma_wait3A_136 : memref<128x8xf32, #tpu.memory_space<vmem_shared>>) dst(%dma_wait3A_134 : memref<128x8xf32, #tpu.memory_space<vmem>>)
        tpu.yield
      }) : () -> ()
      %mul3A_83 = arith.constant 632 : i32
      %mul3A_84 = arith.muli %arg1, %mul3A_83 : i32
      %add3A_85 = arith.constant 0 : i32
      %add3A_86 = arith.addi %mul3A_84, %add3A_85 : i32
      "tpu.region"() ({
        %run_scoped3A = tpu.sem_alloc : memref<!tpu.dma_semaphore, #tpu.memory_space<semaphore_mem>>
        %dma_start3A = arith.constant 0 : i32
        %dma_start3A_119 = arith.constant 0 : i32
        %dma_start3A_120 = tpu.memref_slice %arg15[%dma_start3A, %dma_start3A_119] : memref<128x8xf32, #tpu.memory_space<vmem>> -> memref<128x8xf32, #tpu.memory_space<vmem>>
        %dma_start3A_121 = arith.constant 0 : i32
        %dma_start3A_122 = tpu.memref_slice %arg10[%add3A_86, %dma_start3A_121] : memref<10112x8xf32, #tpu.memory_space<hbm>> -> memref<128x8xf32, #tpu.memory_space<hbm>>
        %dma_start3A_123 = arith.constant 0 : i32
        %dma_start3A_124 = tpu.memref_slice %arg10[%add3A_86, %dma_start3A_123] : memref<10112x8xf32, #tpu.memory_space<hbm>> -> memref<128x8xf32, #tpu.memory_space<hbm>>
        %dma_start3A_125 = arith.constant 0 : i32
        %dma_start3A_126 = arith.constant 0 : i32
        %dma_start3A_127 = tpu.memref_slice %arg15[%dma_start3A_125, %dma_start3A_126] : memref<128x8xf32, #tpu.memory_space<vmem>> -> memref<128x8xf32, #tpu.memory_space<vmem>>
        tpu.enqueue_dma source(%dma_start3A_127 : memref<128x8xf32, #tpu.memory_space<vmem>>) target(%dma_start3A_124 : memref<128x8xf32, #tpu.memory_space<hbm>>) target_semaphore(%run_scoped3A : memref<!tpu.dma_semaphore, #tpu.memory_space<semaphore_mem>>)
        %dma_wait3A = arith.constant 0 : i32
        %dma_wait3A_128 = arith.constant 0 : i32
        %dma_wait3A_129 = tpu.memref_slice %arg15[%dma_wait3A, %dma_wait3A_128] : memref<128x8xf32, #tpu.memory_space<vmem>> -> memref<128x8xf32, #tpu.memory_space<vmem>>
        %dma_wait3A_130 = arith.constant 0 : i32
        %dma_wait3A_131 = tpu.memref_slice %arg10[%add3A_86, %dma_wait3A_130] : memref<10112x8xf32, #tpu.memory_space<hbm>> -> memref<128x8xf32, #tpu.memory_space<hbm>>
        %dma_wait3A_132 = arith.constant 0 : i32
        %dma_wait3A_133 = tpu.memref_slice %arg10[%add3A_86, %dma_wait3A_132] : memref<10112x8xf32, #tpu.memory_space<hbm>> -> memref<128x8xf32, #tpu.memory_space<hbm>>
        %dma_wait3A_134 = arith.constant 0 : i32
        %dma_wait3A_135 = arith.constant 0 : i32
        %dma_wait3A_136 = tpu.memref_slice %arg15[%dma_wait3A_134, %dma_wait3A_135] : memref<128x8xf32, #tpu.memory_space<vmem>> -> memref<128x8xf32, #tpu.memory_space<vmem>>
        tpu.wait_dma2 semaphore(%run_scoped3A : memref<!tpu.dma_semaphore, #tpu.memory_space<semaphore_mem>>) src(%dma_wait3A_136 : memref<128x8xf32, #tpu.memory_space<vmem>>) dst(%dma_wait3A_133 : memref<128x8xf32, #tpu.memory_space<hbm>>)
        tpu.yield
      }) : () -> ()
      %mul3A_87 = arith.constant 632 : i32
      %mul3A_88 = arith.muli %arg1, %mul3A_87 : i32
      %add3A_89 = arith.constant 128 : i32
      %add3A_90 = arith.addi %mul3A_88, %add3A_89 : i32
      "tpu.region"() ({
        %run_scoped3A = tpu.sem_alloc : memref<!tpu.dma_semaphore, #tpu.memory_space<semaphore_mem>>
        %dma_start3A = arith.constant 0 : i32
        %dma_start3A_119 = arith.constant 0 : i32
        %dma_start3A_120 = tpu.memref_slice %arg15[%dma_start3A, %dma_start3A_119] : memref<128x8xf32, #tpu.memory_space<vmem>> -> memref<128x8xf32, #tpu.memory_space<vmem>>
        %dma_start3A_121 = arith.constant 0 : i32
        %dma_start3A_122 = tpu.memref_slice %arg17[%add3A_90, %dma_start3A_121] : memref<10112x8xf32, #tpu.memory_space<vmem_shared>> -> memref<128x8xf32, #tpu.memory_space<vmem_shared>>
        %dma_start3A_123 = arith.constant 0 : i32
        %dma_start3A_124 = arith.constant 0 : i32
        %dma_start3A_125 = tpu.memref_slice %arg15[%dma_start3A_123, %dma_start3A_124] : memref<128x8xf32, #tpu.memory_space<vmem>> -> memref<128x8xf32, #tpu.memory_space<vmem>>
        %dma_start3A_126 = arith.constant 0 : i32
        %dma_start3A_127 = tpu.memref_slice %arg17[%add3A_90, %dma_start3A_126] : memref<10112x8xf32, #tpu.memory_space<vmem_shared>> -> memref<128x8xf32, #tpu.memory_space<vmem_shared>>
        tpu.enqueue_dma source(%dma_start3A_127 : memref<128x8xf32, #tpu.memory_space<vmem_shared>>) target(%dma_start3A_125 : memref<128x8xf32, #tpu.memory_space<vmem>>) target_semaphore(%run_scoped3A : memref<!tpu.dma_semaphore, #tpu.memory_space<semaphore_mem>>)
        %dma_wait3A = arith.constant 0 : i32
        %dma_wait3A_128 = arith.constant 0 : i32
        %dma_wait3A_129 = tpu.memref_slice %arg15[%dma_wait3A, %dma_wait3A_128] : memref<128x8xf32, #tpu.memory_space<vmem>> -> memref<128x8xf32, #tpu.memory_space<vmem>>
        %dma_wait3A_130 = arith.constant 0 : i32
        %dma_wait3A_131 = tpu.memref_slice %arg17[%add3A_90, %dma_wait3A_130] : memref<10112x8xf32, #tpu.memory_space<vmem_shared>> -> memref<128x8xf32, #tpu.memory_space<vmem_shared>>
        %dma_wait3A_132 = arith.constant 0 : i32
        %dma_wait3A_133 = arith.constant 0 : i32
        %dma_wait3A_134 = tpu.memref_slice %arg15[%dma_wait3A_132, %dma_wait3A_133] : memref<128x8xf32, #tpu.memory_space<vmem>> -> memref<128x8xf32, #tpu.memory_space<vmem>>
        %dma_wait3A_135 = arith.constant 0 : i32
        %dma_wait3A_136 = tpu.memref_slice %arg17[%add3A_90, %dma_wait3A_135] : memref<10112x8xf32, #tpu.memory_space<vmem_shared>> -> memref<128x8xf32, #tpu.memory_space<vmem_shared>>
        tpu.wait_dma2 semaphore(%run_scoped3A : memref<!tpu.dma_semaphore, #tpu.memory_space<semaphore_mem>>) src(%dma_wait3A_136 : memref<128x8xf32, #tpu.memory_space<vmem_shared>>) dst(%dma_wait3A_134 : memref<128x8xf32, #tpu.memory_space<vmem>>)
        tpu.yield
      }) : () -> ()
      %mul3A_91 = arith.constant 632 : i32
      %mul3A_92 = arith.muli %arg1, %mul3A_91 : i32
      %add3A_93 = arith.constant 128 : i32
      %add3A_94 = arith.addi %mul3A_92, %add3A_93 : i32
      "tpu.region"() ({
        %run_scoped3A = tpu.sem_alloc : memref<!tpu.dma_semaphore, #tpu.memory_space<semaphore_mem>>
        %dma_start3A = arith.constant 0 : i32
        %dma_start3A_119 = arith.constant 0 : i32
        %dma_start3A_120 = tpu.memref_slice %arg15[%dma_start3A, %dma_start3A_119] : memref<128x8xf32, #tpu.memory_space<vmem>> -> memref<128x8xf32, #tpu.memory_space<vmem>>
        %dma_start3A_121 = arith.constant 0 : i32
        %dma_start3A_122 = tpu.memref_slice %arg10[%add3A_94, %dma_start3A_121] : memref<10112x8xf32, #tpu.memory_space<hbm>> -> memref<128x8xf32, #tpu.memory_space<hbm>>
        %dma_start3A_123 = arith.constant 0 : i32
        %dma_start3A_124 = tpu.memref_slice %arg10[%add3A_94, %dma_start3A_123] : memref<10112x8xf32, #tpu.memory_space<hbm>> -> memref<128x8xf32, #tpu.memory_space<hbm>>
        %dma_start3A_125 = arith.constant 0 : i32
        %dma_start3A_126 = arith.constant 0 : i32
        %dma_start3A_127 = tpu.memref_slice %arg15[%dma_start3A_125, %dma_start3A_126] : memref<128x8xf32, #tpu.memory_space<vmem>> -> memref<128x8xf32, #tpu.memory_space<vmem>>
        tpu.enqueue_dma source(%dma_start3A_127 : memref<128x8xf32, #tpu.memory_space<vmem>>) target(%dma_start3A_124 : memref<128x8xf32, #tpu.memory_space<hbm>>) target_semaphore(%run_scoped3A : memref<!tpu.dma_semaphore, #tpu.memory_space<semaphore_mem>>)
        %dma_wait3A = arith.constant 0 : i32
        %dma_wait3A_128 = arith.constant 0 : i32
        %dma_wait3A_129 = tpu.memref_slice %arg15[%dma_wait3A, %dma_wait3A_128] : memref<128x8xf32, #tpu.memory_space<vmem>> -> memref<128x8xf32, #tpu.memory_space<vmem>>
        %dma_wait3A_130 = arith.constant 0 : i32
        %dma_wait3A_131 = tpu.memref_slice %arg10[%add3A_94, %dma_wait3A_130] : memref<10112x8xf32, #tpu.memory_space<hbm>> -> memref<128x8xf32, #tpu.memory_space<hbm>>
        %dma_wait3A_132 = arith.constant 0 : i32
        %dma_wait3A_133 = tpu.memref_slice %arg10[%add3A_94, %dma_wait3A_132] : memref<10112x8xf32, #tpu.memory_space<hbm>> -> memref<128x8xf32, #tpu.memory_space<hbm>>
        %dma_wait3A_134 = arith.constant 0 : i32
        %dma_wait3A_135 = arith.constant 0 : i32
        %dma_wait3A_136 = tpu.memref_slice %arg15[%dma_wait3A_134, %dma_wait3A_135] : memref<128x8xf32, #tpu.memory_space<vmem>> -> memref<128x8xf32, #tpu.memory_space<vmem>>
        tpu.wait_dma2 semaphore(%run_scoped3A : memref<!tpu.dma_semaphore, #tpu.memory_space<semaphore_mem>>) src(%dma_wait3A_136 : memref<128x8xf32, #tpu.memory_space<vmem>>) dst(%dma_wait3A_133 : memref<128x8xf32, #tpu.memory_space<hbm>>)
        tpu.yield
      }) : () -> ()
      %mul3A_95 = arith.constant 632 : i32
      %mul3A_96 = arith.muli %arg1, %mul3A_95 : i32
      %add3A_97 = arith.constant 256 : i32
      %add3A_98 = arith.addi %mul3A_96, %add3A_97 : i32
      "tpu.region"() ({
        %run_scoped3A = tpu.sem_alloc : memref<!tpu.dma_semaphore, #tpu.memory_space<semaphore_mem>>
        %dma_start3A = arith.constant 0 : i32
        %dma_start3A_119 = arith.constant 0 : i32
        %dma_start3A_120 = tpu.memref_slice %arg15[%dma_start3A, %dma_start3A_119] : memref<128x8xf32, #tpu.memory_space<vmem>> -> memref<128x8xf32, #tpu.memory_space<vmem>>
        %dma_start3A_121 = arith.constant 0 : i32
        %dma_start3A_122 = tpu.memref_slice %arg17[%add3A_98, %dma_start3A_121] : memref<10112x8xf32, #tpu.memory_space<vmem_shared>> -> memref<128x8xf32, #tpu.memory_space<vmem_shared>>
        %dma_start3A_123 = arith.constant 0 : i32
        %dma_start3A_124 = arith.constant 0 : i32
        %dma_start3A_125 = tpu.memref_slice %arg15[%dma_start3A_123, %dma_start3A_124] : memref<128x8xf32, #tpu.memory_space<vmem>> -> memref<128x8xf32, #tpu.memory_space<vmem>>
        %dma_start3A_126 = arith.constant 0 : i32
        %dma_start3A_127 = tpu.memref_slice %arg17[%add3A_98, %dma_start3A_126] : memref<10112x8xf32, #tpu.memory_space<vmem_shared>> -> memref<128x8xf32, #tpu.memory_space<vmem_shared>>
        tpu.enqueue_dma source(%dma_start3A_127 : memref<128x8xf32, #tpu.memory_space<vmem_shared>>) target(%dma_start3A_125 : memref<128x8xf32, #tpu.memory_space<vmem>>) target_semaphore(%run_scoped3A : memref<!tpu.dma_semaphore, #tpu.memory_space<semaphore_mem>>)
        %dma_wait3A = arith.constant 0 : i32
        %dma_wait3A_128 = arith.constant 0 : i32
        %dma_wait3A_129 = tpu.memref_slice %arg15[%dma_wait3A, %dma_wait3A_128] : memref<128x8xf32, #tpu.memory_space<vmem>> -> memref<128x8xf32, #tpu.memory_space<vmem>>
        %dma_wait3A_130 = arith.constant 0 : i32
        %dma_wait3A_131 = tpu.memref_slice %arg17[%add3A_98, %dma_wait3A_130] : memref<10112x8xf32, #tpu.memory_space<vmem_shared>> -> memref<128x8xf32, #tpu.memory_space<vmem_shared>>
        %dma_wait3A_132 = arith.constant 0 : i32
        %dma_wait3A_133 = arith.constant 0 : i32
        %dma_wait3A_134 = tpu.memref_slice %arg15[%dma_wait3A_132, %dma_wait3A_133] : memref<128x8xf32, #tpu.memory_space<vmem>> -> memref<128x8xf32, #tpu.memory_space<vmem>>
        %dma_wait3A_135 = arith.constant 0 : i32
        %dma_wait3A_136 = tpu.memref_slice %arg17[%add3A_98, %dma_wait3A_135] : memref<10112x8xf32, #tpu.memory_space<vmem_shared>> -> memref<128x8xf32, #tpu.memory_space<vmem_shared>>
        tpu.wait_dma2 semaphore(%run_scoped3A : memref<!tpu.dma_semaphore, #tpu.memory_space<semaphore_mem>>) src(%dma_wait3A_136 : memref<128x8xf32, #tpu.memory_space<vmem_shared>>) dst(%dma_wait3A_134 : memref<128x8xf32, #tpu.memory_space<vmem>>)
        tpu.yield
      }) : () -> ()
      %mul3A_99 = arith.constant 632 : i32
      %mul3A_100 = arith.muli %arg1, %mul3A_99 : i32
      %add3A_101 = arith.constant 256 : i32
      %add3A_102 = arith.addi %mul3A_100, %add3A_101 : i32
      "tpu.region"() ({
        %run_scoped3A = tpu.sem_alloc : memref<!tpu.dma_semaphore, #tpu.memory_space<semaphore_mem>>
        %dma_start3A = arith.constant 0 : i32
        %dma_start3A_119 = arith.constant 0 : i32
        %dma_start3A_120 = tpu.memref_slice %arg15[%dma_start3A, %dma_start3A_119] : memref<128x8xf32, #tpu.memory_space<vmem>> -> memref<128x8xf32, #tpu.memory_space<vmem>>
        %dma_start3A_121 = arith.constant 0 : i32
        %dma_start3A_122 = tpu.memref_slice %arg10[%add3A_102, %dma_start3A_121] : memref<10112x8xf32, #tpu.memory_space<hbm>> -> memref<128x8xf32, #tpu.memory_space<hbm>>
        %dma_start3A_123 = arith.constant 0 : i32
        %dma_start3A_124 = tpu.memref_slice %arg10[%add3A_102, %dma_start3A_123] : memref<10112x8xf32, #tpu.memory_space<hbm>> -> memref<128x8xf32, #tpu.memory_space<hbm>>
        %dma_start3A_125 = arith.constant 0 : i32
        %dma_start3A_126 = arith.constant 0 : i32
        %dma_start3A_127 = tpu.memref_slice %arg15[%dma_start3A_125, %dma_start3A_126] : memref<128x8xf32, #tpu.memory_space<vmem>> -> memref<128x8xf32, #tpu.memory_space<vmem>>
        tpu.enqueue_dma source(%dma_start3A_127 : memref<128x8xf32, #tpu.memory_space<vmem>>) target(%dma_start3A_124 : memref<128x8xf32, #tpu.memory_space<hbm>>) target_semaphore(%run_scoped3A : memref<!tpu.dma_semaphore, #tpu.memory_space<semaphore_mem>>)
        %dma_wait3A = arith.constant 0 : i32
        %dma_wait3A_128 = arith.constant 0 : i32
        %dma_wait3A_129 = tpu.memref_slice %arg15[%dma_wait3A, %dma_wait3A_128] : memref<128x8xf32, #tpu.memory_space<vmem>> -> memref<128x8xf32, #tpu.memory_space<vmem>>
        %dma_wait3A_130 = arith.constant 0 : i32
        %dma_wait3A_131 = tpu.memref_slice %arg10[%add3A_102, %dma_wait3A_130] : memref<10112x8xf32, #tpu.memory_space<hbm>> -> memref<128x8xf32, #tpu.memory_space<hbm>>
        %dma_wait3A_132 = arith.constant 0 : i32
        %dma_wait3A_133 = tpu.memref_slice %arg10[%add3A_102, %dma_wait3A_132] : memref<10112x8xf32, #tpu.memory_space<hbm>> -> memref<128x8xf32, #tpu.memory_space<hbm>>
        %dma_wait3A_134 = arith.constant 0 : i32
        %dma_wait3A_135 = arith.constant 0 : i32
        %dma_wait3A_136 = tpu.memref_slice %arg15[%dma_wait3A_134, %dma_wait3A_135] : memref<128x8xf32, #tpu.memory_space<vmem>> -> memref<128x8xf32, #tpu.memory_space<vmem>>
        tpu.wait_dma2 semaphore(%run_scoped3A : memref<!tpu.dma_semaphore, #tpu.memory_space<semaphore_mem>>) src(%dma_wait3A_136 : memref<128x8xf32, #tpu.memory_space<vmem>>) dst(%dma_wait3A_133 : memref<128x8xf32, #tpu.memory_space<hbm>>)
        tpu.yield
      }) : () -> ()
      %mul3A_103 = arith.constant 632 : i32
      %mul3A_104 = arith.muli %arg1, %mul3A_103 : i32
      %add3A_105 = arith.constant 384 : i32
      %add3A_106 = arith.addi %mul3A_104, %add3A_105 : i32
      "tpu.region"() ({
        %run_scoped3A = tpu.sem_alloc : memref<!tpu.dma_semaphore, #tpu.memory_space<semaphore_mem>>
        %dma_start3A = arith.constant 0 : i32
        %dma_start3A_119 = arith.constant 0 : i32
        %dma_start3A_120 = tpu.memref_slice %arg15[%dma_start3A, %dma_start3A_119] : memref<128x8xf32, #tpu.memory_space<vmem>> -> memref<128x8xf32, #tpu.memory_space<vmem>>
        %dma_start3A_121 = arith.constant 0 : i32
        %dma_start3A_122 = tpu.memref_slice %arg17[%add3A_106, %dma_start3A_121] : memref<10112x8xf32, #tpu.memory_space<vmem_shared>> -> memref<128x8xf32, #tpu.memory_space<vmem_shared>>
        %dma_start3A_123 = arith.constant 0 : i32
        %dma_start3A_124 = arith.constant 0 : i32
        %dma_start3A_125 = tpu.memref_slice %arg15[%dma_start3A_123, %dma_start3A_124] : memref<128x8xf32, #tpu.memory_space<vmem>> -> memref<128x8xf32, #tpu.memory_space<vmem>>
        %dma_start3A_126 = arith.constant 0 : i32
        %dma_start3A_127 = tpu.memref_slice %arg17[%add3A_106, %dma_start3A_126] : memref<10112x8xf32, #tpu.memory_space<vmem_shared>> -> memref<128x8xf32, #tpu.memory_space<vmem_shared>>
        tpu.enqueue_dma source(%dma_start3A_127 : memref<128x8xf32, #tpu.memory_space<vmem_shared>>) target(%dma_start3A_125 : memref<128x8xf32, #tpu.memory_space<vmem>>) target_semaphore(%run_scoped3A : memref<!tpu.dma_semaphore, #tpu.memory_space<semaphore_mem>>)
        %dma_wait3A = arith.constant 0 : i32
        %dma_wait3A_128 = arith.constant 0 : i32
        %dma_wait3A_129 = tpu.memref_slice %arg15[%dma_wait3A, %dma_wait3A_128] : memref<128x8xf32, #tpu.memory_space<vmem>> -> memref<128x8xf32, #tpu.memory_space<vmem>>
        %dma_wait3A_130 = arith.constant 0 : i32
        %dma_wait3A_131 = tpu.memref_slice %arg17[%add3A_106, %dma_wait3A_130] : memref<10112x8xf32, #tpu.memory_space<vmem_shared>> -> memref<128x8xf32, #tpu.memory_space<vmem_shared>>
        %dma_wait3A_132 = arith.constant 0 : i32
        %dma_wait3A_133 = arith.constant 0 : i32
        %dma_wait3A_134 = tpu.memref_slice %arg15[%dma_wait3A_132, %dma_wait3A_133] : memref<128x8xf32, #tpu.memory_space<vmem>> -> memref<128x8xf32, #tpu.memory_space<vmem>>
        %dma_wait3A_135 = arith.constant 0 : i32
        %dma_wait3A_136 = tpu.memref_slice %arg17[%add3A_106, %dma_wait3A_135] : memref<10112x8xf32, #tpu.memory_space<vmem_shared>> -> memref<128x8xf32, #tpu.memory_space<vmem_shared>>
        tpu.wait_dma2 semaphore(%run_scoped3A : memref<!tpu.dma_semaphore, #tpu.memory_space<semaphore_mem>>) src(%dma_wait3A_136 : memref<128x8xf32, #tpu.memory_space<vmem_shared>>) dst(%dma_wait3A_134 : memref<128x8xf32, #tpu.memory_space<vmem>>)
        tpu.yield
      }) : () -> ()
      %mul3A_107 = arith.constant 632 : i32
      %mul3A_108 = arith.muli %arg1, %mul3A_107 : i32
      %add3A_109 = arith.constant 384 : i32
      %add3A_110 = arith.addi %mul3A_108, %add3A_109 : i32
      "tpu.region"() ({
        %run_scoped3A = tpu.sem_alloc : memref<!tpu.dma_semaphore, #tpu.memory_space<semaphore_mem>>
        %dma_start3A = arith.constant 0 : i32
        %dma_start3A_119 = arith.constant 0 : i32
        %dma_start3A_120 = tpu.memref_slice %arg15[%dma_start3A, %dma_start3A_119] : memref<128x8xf32, #tpu.memory_space<vmem>> -> memref<128x8xf32, #tpu.memory_space<vmem>>
        %dma_start3A_121 = arith.constant 0 : i32
        %dma_start3A_122 = tpu.memref_slice %arg10[%add3A_110, %dma_start3A_121] : memref<10112x8xf32, #tpu.memory_space<hbm>> -> memref<128x8xf32, #tpu.memory_space<hbm>>
        %dma_start3A_123 = arith.constant 0 : i32
        %dma_start3A_124 = tpu.memref_slice %arg10[%add3A_110, %dma_start3A_123] : memref<10112x8xf32, #tpu.memory_space<hbm>> -> memref<128x8xf32, #tpu.memory_space<hbm>>
        %dma_start3A_125 = arith.constant 0 : i32
        %dma_start3A_126 = arith.constant 0 : i32
        %dma_start3A_127 = tpu.memref_slice %arg15[%dma_start3A_125, %dma_start3A_126] : memref<128x8xf32, #tpu.memory_space<vmem>> -> memref<128x8xf32, #tpu.memory_space<vmem>>
        tpu.enqueue_dma source(%dma_start3A_127 : memref<128x8xf32, #tpu.memory_space<vmem>>) target(%dma_start3A_124 : memref<128x8xf32, #tpu.memory_space<hbm>>) target_semaphore(%run_scoped3A : memref<!tpu.dma_semaphore, #tpu.memory_space<semaphore_mem>>)
        %dma_wait3A = arith.constant 0 : i32
        %dma_wait3A_128 = arith.constant 0 : i32
        %dma_wait3A_129 = tpu.memref_slice %arg15[%dma_wait3A, %dma_wait3A_128] : memref<128x8xf32, #tpu.memory_space<vmem>> -> memref<128x8xf32, #tpu.memory_space<vmem>>
        %dma_wait3A_130 = arith.constant 0 : i32
        %dma_wait3A_131 = tpu.memref_slice %arg10[%add3A_110, %dma_wait3A_130] : memref<10112x8xf32, #tpu.memory_space<hbm>> -> memref<128x8xf32, #tpu.memory_space<hbm>>
        %dma_wait3A_132 = arith.constant 0 : i32
        %dma_wait3A_133 = tpu.memref_slice %arg10[%add3A_110, %dma_wait3A_132] : memref<10112x8xf32, #tpu.memory_space<hbm>> -> memref<128x8xf32, #tpu.memory_space<hbm>>
        %dma_wait3A_134 = arith.constant 0 : i32
        %dma_wait3A_135 = arith.constant 0 : i32
        %dma_wait3A_136 = tpu.memref_slice %arg15[%dma_wait3A_134, %dma_wait3A_135] : memref<128x8xf32, #tpu.memory_space<vmem>> -> memref<128x8xf32, #tpu.memory_space<vmem>>
        tpu.wait_dma2 semaphore(%run_scoped3A : memref<!tpu.dma_semaphore, #tpu.memory_space<semaphore_mem>>) src(%dma_wait3A_136 : memref<128x8xf32, #tpu.memory_space<vmem>>) dst(%dma_wait3A_133 : memref<128x8xf32, #tpu.memory_space<hbm>>)
        tpu.yield
      }) : () -> ()
      %mul3A_111 = arith.constant 632 : i32
      %mul3A_112 = arith.muli %arg1, %mul3A_111 : i32
      %add3A_113 = arith.constant 512 : i32
      %add3A_114 = arith.addi %mul3A_112, %add3A_113 : i32
      "tpu.region"() ({
        %run_scoped3A = tpu.sem_alloc : memref<!tpu.dma_semaphore, #tpu.memory_space<semaphore_mem>>
        %dma_start3A = arith.constant 0 : i32
        %dma_start3A_119 = arith.constant 0 : i32
        %dma_start3A_120 = tpu.memref_slice %arg15[%dma_start3A, %dma_start3A_119] : memref<128x8xf32, #tpu.memory_space<vmem>> -> memref<120x8xf32, #tpu.memory_space<vmem>>
        %dma_start3A_121 = arith.constant 0 : i32
        %dma_start3A_122 = tpu.memref_slice %arg17[%add3A_114, %dma_start3A_121] : memref<10112x8xf32, #tpu.memory_space<vmem_shared>> -> memref<120x8xf32, #tpu.memory_space<vmem_shared>>
        %dma_start3A_123 = arith.constant 0 : i32
        %dma_start3A_124 = arith.constant 0 : i32
        %dma_start3A_125 = tpu.memref_slice %arg15[%dma_start3A_123, %dma_start3A_124] : memref<128x8xf32, #tpu.memory_space<vmem>> -> memref<120x8xf32, #tpu.memory_space<vmem>>
        %dma_start3A_126 = arith.constant 0 : i32
        %dma_start3A_127 = tpu.memref_slice %arg17[%add3A_114, %dma_start3A_126] : memref<10112x8xf32, #tpu.memory_space<vmem_shared>> -> memref<120x8xf32, #tpu.memory_space<vmem_shared>>
        tpu.enqueue_dma source(%dma_start3A_127 : memref<120x8xf32, #tpu.memory_space<vmem_shared>>) target(%dma_start3A_125 : memref<120x8xf32, #tpu.memory_space<vmem>>) target_semaphore(%run_scoped3A : memref<!tpu.dma_semaphore, #tpu.memory_space<semaphore_mem>>)
        %dma_wait3A = arith.constant 0 : i32
        %dma_wait3A_128 = arith.constant 0 : i32
        %dma_wait3A_129 = tpu.memref_slice %arg15[%dma_wait3A, %dma_wait3A_128] : memref<128x8xf32, #tpu.memory_space<vmem>> -> memref<120x8xf32, #tpu.memory_space<vmem>>
        %dma_wait3A_130 = arith.constant 0 : i32
        %dma_wait3A_131 = tpu.memref_slice %arg17[%add3A_114, %dma_wait3A_130] : memref<10112x8xf32, #tpu.memory_space<vmem_shared>> -> memref<120x8xf32, #tpu.memory_space<vmem_shared>>
        %dma_wait3A_132 = arith.constant 0 : i32
        %dma_wait3A_133 = arith.constant 0 : i32
        %dma_wait3A_134 = tpu.memref_slice %arg15[%dma_wait3A_132, %dma_wait3A_133] : memref<128x8xf32, #tpu.memory_space<vmem>> -> memref<120x8xf32, #tpu.memory_space<vmem>>
        %dma_wait3A_135 = arith.constant 0 : i32
        %dma_wait3A_136 = tpu.memref_slice %arg17[%add3A_114, %dma_wait3A_135] : memref<10112x8xf32, #tpu.memory_space<vmem_shared>> -> memref<120x8xf32, #tpu.memory_space<vmem_shared>>
        tpu.wait_dma2 semaphore(%run_scoped3A : memref<!tpu.dma_semaphore, #tpu.memory_space<semaphore_mem>>) src(%dma_wait3A_136 : memref<120x8xf32, #tpu.memory_space<vmem_shared>>) dst(%dma_wait3A_134 : memref<120x8xf32, #tpu.memory_space<vmem>>)
        tpu.yield
      }) : () -> ()
      %mul3A_115 = arith.constant 632 : i32
      %mul3A_116 = arith.muli %arg1, %mul3A_115 : i32
      %add3A_117 = arith.constant 512 : i32
      %add3A_118 = arith.addi %mul3A_116, %add3A_117 : i32
      "tpu.region"() ({
        %run_scoped3A = tpu.sem_alloc : memref<!tpu.dma_semaphore, #tpu.memory_space<semaphore_mem>>
        %dma_start3A = arith.constant 0 : i32
        %dma_start3A_119 = arith.constant 0 : i32
        %dma_start3A_120 = tpu.memref_slice %arg15[%dma_start3A, %dma_start3A_119] : memref<128x8xf32, #tpu.memory_space<vmem>> -> memref<120x8xf32, #tpu.memory_space<vmem>>
        %dma_start3A_121 = arith.constant 0 : i32
        %dma_start3A_122 = tpu.memref_slice %arg10[%add3A_118, %dma_start3A_121] : memref<10112x8xf32, #tpu.memory_space<hbm>> -> memref<120x8xf32, #tpu.memory_space<hbm>>
        %dma_start3A_123 = arith.constant 0 : i32
        %dma_start3A_124 = tpu.memref_slice %arg10[%add3A_118, %dma_start3A_123] : memref<10112x8xf32, #tpu.memory_space<hbm>> -> memref<120x8xf32, #tpu.memory_space<hbm>>
        %dma_start3A_125 = arith.constant 0 : i32
        %dma_start3A_126 = arith.constant 0 : i32
        %dma_start3A_127 = tpu.memref_slice %arg15[%dma_start3A_125, %dma_start3A_126] : memref<128x8xf32, #tpu.memory_space<vmem>> -> memref<120x8xf32, #tpu.memory_space<vmem>>
        tpu.enqueue_dma source(%dma_start3A_127 : memref<120x8xf32, #tpu.memory_space<vmem>>) target(%dma_start3A_124 : memref<120x8xf32, #tpu.memory_space<hbm>>) target_semaphore(%run_scoped3A : memref<!tpu.dma_semaphore, #tpu.memory_space<semaphore_mem>>)
        %dma_wait3A = arith.constant 0 : i32
        %dma_wait3A_128 = arith.constant 0 : i32
        %dma_wait3A_129 = tpu.memref_slice %arg15[%dma_wait3A, %dma_wait3A_128] : memref<128x8xf32, #tpu.memory_space<vmem>> -> memref<120x8xf32, #tpu.memory_space<vmem>>
        %dma_wait3A_130 = arith.constant 0 : i32
        %dma_wait3A_131 = tpu.memref_slice %arg10[%add3A_118, %dma_wait3A_130] : memref<10112x8xf32, #tpu.memory_space<hbm>> -> memref<120x8xf32, #tpu.memory_space<hbm>>
        %dma_wait3A_132 = arith.constant 0 : i32
        %dma_wait3A_133 = tpu.memref_slice %arg10[%add3A_118, %dma_wait3A_132] : memref<10112x8xf32, #tpu.memory_space<hbm>> -> memref<120x8xf32, #tpu.memory_space<hbm>>
        %dma_wait3A_134 = arith.constant 0 : i32
        %dma_wait3A_135 = arith.constant 0 : i32
        %dma_wait3A_136 = tpu.memref_slice %arg15[%dma_wait3A_134, %dma_wait3A_135] : memref<128x8xf32, #tpu.memory_space<vmem>> -> memref<120x8xf32, #tpu.memory_space<vmem>>
        tpu.wait_dma2 semaphore(%run_scoped3A : memref<!tpu.dma_semaphore, #tpu.memory_space<semaphore_mem>>) src(%dma_wait3A_136 : memref<120x8xf32, #tpu.memory_space<vmem>>) dst(%dma_wait3A_133 : memref<120x8xf32, #tpu.memory_space<hbm>>)
        tpu.yield
      }) : () -> ()
    } else {
    }
    return
  }
}

module attributes {stable_mosaic.version = 14 : i64} {
  func.func @_tc_combine_body(%arg0: i32, %arg1: memref<1000x128xf32, #tpu.memory_space<vmem>>, %arg2: memref<1000x64xf32, #tpu.memory_space<vmem>>, %arg3: memref<1000x64xf32, #tpu.memory_space<vmem>>, %arg4: memref<1000x8xf32, #tpu.memory_space<vmem>>, %arg5: memref<128x128xf32, #tpu.memory_space<vmem>>, %arg6: memref<64x128xf32, #tpu.memory_space<vmem>>, %arg7: memref<64x128xf32, #tpu.memory_space<vmem>>, %arg8: memref<1x128xf32, #tpu.memory_space<vmem>>, %arg9: memref<1000x128xf32, #tpu.memory_space<vmem>>) attributes {dimension_semantics = [#tpu.dimension_semantics<arbitrary>], iteration_bounds = array<i64: 10>, scalar_prefetch = 0 : i64, scratch_operands = 0 : i64, tpu.core_type = #tpu.core_type<tc>, window_params = [{transform_indices = @transform_0, window_bounds = array<i64: 1000, 128>}, {transform_indices = @transform_1, window_bounds = array<i64: 1000, 64>}, {transform_indices = @transform_2, window_bounds = array<i64: 1000, 64>}, {transform_indices = @transform_3, window_bounds = array<i64: 1000, 8>}, {pipeline_mode = #tpu.pipeline_mode<synchronous>, transform_indices = @transform_4, window_bounds = array<i64: 128, 128>}, {pipeline_mode = #tpu.pipeline_mode<synchronous>, transform_indices = @transform_5, window_bounds = array<i64: 64, 128>}, {pipeline_mode = #tpu.pipeline_mode<synchronous>, transform_indices = @transform_6, window_bounds = array<i64: 64, 128>}, {pipeline_mode = #tpu.pipeline_mode<synchronous>, transform_indices = @transform_7, window_bounds = array<i64: 1, 128>}, {transform_indices = @transform_8, window_bounds = array<i64: 1000, 128>}]} {
    %get3A = arith.constant 0 : index
    %get3A_0 = arith.constant 0 : index
    %get3A_1 = vector.load %arg4[%get3A, %get3A_0] : memref<1000x8xf32, #tpu.memory_space<vmem>>, vector<1000x1xf32>
    %max3A = arith.constant 1.000000e+00 : f32
    %max3A_2 = vector.broadcast %max3A : f32 to vector<1000x1xf32>
    %max3A_3 = arith.maximumf %get3A_1, %max3A_2 : vector<1000x1xf32>
    %div3A = arith.constant 1.000000e+00 : f32
    %div3A_4 = vector.broadcast %div3A : f32 to vector<1000x1xf32>
    %div3A_5 = arith.divf %div3A_4, %max3A_3 : vector<1000x1xf32>
    %get3A_6 = arith.constant 0 : index
    %get3A_7 = arith.constant 0 : index
    %get3A_8 = vector.load %arg1[%get3A_6, %get3A_7] : memref<1000x128xf32, #tpu.memory_space<vmem>>, vector<1000x128xf32>
    %get3A_9 = arith.constant 0 : index
    %get3A_10 = arith.constant 0 : index
    %get3A_11 = vector.load %arg5[%get3A_9, %get3A_10] : memref<128x128xf32, #tpu.memory_space<vmem>>, vector<128x128xf32>
    %dot_general3A = arith.constant dense<0.000000e+00> : vector<1000x128xf32>
    %dot_general3A_12 = tpu.matmul %get3A_8, %get3A_11, %dot_general3A {dimension_numbers = #tpu.dot_dimension_numbers<[1], [0], [0], [1], [0, 0, 1, 1], [], []>, transpose_lhs_hint = false} : vector<1000x128xf32>, vector<128x128xf32>, vector<1000x128xf32> -> vector<1000x128xf32>
    %get3A_13 = arith.constant 0 : index
    %get3A_14 = arith.constant 0 : index
    %get3A_15 = vector.load %arg2[%get3A_13, %get3A_14] : memref<1000x64xf32, #tpu.memory_space<vmem>>, vector<1000x64xf32>
    %mul3A = vector.broadcast %div3A_5 : vector<1000x1xf32> to vector<1000x64xf32>
    %mul3A_16 = arith.mulf %get3A_15, %mul3A : vector<1000x64xf32>
    %get3A_17 = arith.constant 0 : index
    %get3A_18 = arith.constant 0 : index
    %get3A_19 = vector.load %arg6[%get3A_17, %get3A_18] : memref<64x128xf32, #tpu.memory_space<vmem>>, vector<64x128xf32>
    %dot_general3A_20 = arith.constant dense<0.000000e+00> : vector<1000x128xf32>
    %dot_general3A_21 = tpu.matmul %mul3A_16, %get3A_19, %dot_general3A_20 {dimension_numbers = #tpu.dot_dimension_numbers<[1], [0], [0], [1], [0, 0, 1, 1], [], []>, transpose_lhs_hint = false} : vector<1000x64xf32>, vector<64x128xf32>, vector<1000x128xf32> -> vector<1000x128xf32>
    %add3A = arith.addf %dot_general3A_12, %dot_general3A_21 : vector<1000x128xf32>
    %get3A_22 = arith.constant 0 : index
    %get3A_23 = arith.constant 0 : index
    %get3A_24 = vector.load %arg3[%get3A_22, %get3A_23] : memref<1000x64xf32, #tpu.memory_space<vmem>>, vector<1000x64xf32>
    %mul3A_25 = vector.broadcast %div3A_5 : vector<1000x1xf32> to vector<1000x64xf32>
    %mul3A_26 = arith.mulf %get3A_24, %mul3A_25 : vector<1000x64xf32>
    %get3A_27 = arith.constant 0 : index
    %get3A_28 = arith.constant 0 : index
    %get3A_29 = vector.load %arg7[%get3A_27, %get3A_28] : memref<64x128xf32, #tpu.memory_space<vmem>>, vector<64x128xf32>
    %dot_general3A_30 = arith.constant dense<0.000000e+00> : vector<1000x128xf32>
    %dot_general3A_31 = tpu.matmul %mul3A_26, %get3A_29, %dot_general3A_30 {dimension_numbers = #tpu.dot_dimension_numbers<[1], [0], [0], [1], [0, 0, 1, 1], [], []>, transpose_lhs_hint = false} : vector<1000x64xf32>, vector<64x128xf32>, vector<1000x128xf32> -> vector<1000x128xf32>
    %add3A_32 = arith.addf %add3A, %dot_general3A_31 : vector<1000x128xf32>
    %get3A_33 = arith.constant 0 : index
    %get3A_34 = arith.constant 0 : index
    %get3A_35 = vector.load %arg8[%get3A_33, %get3A_34] : memref<1x128xf32, #tpu.memory_space<vmem>>, vector<1x128xf32>
    %add3A_36 = vector.broadcast %get3A_35 : vector<1x128xf32> to vector<1000x128xf32>
    %add3A_37 = arith.addf %add3A_32, %add3A_36 : vector<1000x128xf32>
    %swap3A = arith.constant 0 : index
    %swap3A_38 = arith.constant 0 : index
    %swap3A_39 = vector.load %arg9[%swap3A, %swap3A_38] : memref<1000x128xf32, #tpu.memory_space<vmem>>, vector<1000x128xf32>
    tpu.vector_store %arg9[%swap3A, %swap3A_38], %add3A_37 {strides = array<i32>} : memref<1000x128xf32, #tpu.memory_space<vmem>>, vector<1000x128xf32>,
    return
  }
  func.func @transform_0(%arg0: i32) -> (i32, i32) {
    %c0_i32 = arith.constant 0 : i32
    %c0_i32_0 = arith.constant 0 : i32
    return %arg0, %c0_i32 : i32, i32
  }
  func.func @transform_1(%arg0: i32) -> (i32, i32) {
    %c0_i32 = arith.constant 0 : i32
    %c0_i32_0 = arith.constant 0 : i32
    return %arg0, %c0_i32 : i32, i32
  }
  func.func @transform_2(%arg0: i32) -> (i32, i32) {
    %c0_i32 = arith.constant 0 : i32
    %c0_i32_0 = arith.constant 0 : i32
    return %arg0, %c0_i32 : i32, i32
  }
  func.func @transform_3(%arg0: i32) -> (i32, i32) {
    %c0_i32 = arith.constant 0 : i32
    %c0_i32_0 = arith.constant 0 : i32
    return %arg0, %c0_i32 : i32, i32
  }
  func.func @transform_4(%arg0: i32) -> (i32, i32) {
    %c0_i32 = arith.constant 0 : i32
    %c0_i32_0 = arith.constant 0 : i32
    %c0_i32_1 = arith.constant 0 : i32
    return %c0_i32, %c0_i32_0 : i32, i32
  }
  func.func @transform_5(%arg0: i32) -> (i32, i32) {
    %c0_i32 = arith.constant 0 : i32
    %c0_i32_0 = arith.constant 0 : i32
    %c0_i32_1 = arith.constant 0 : i32
    return %c0_i32, %c0_i32_0 : i32, i32
  }
  func.func @transform_6(%arg0: i32) -> (i32, i32) {
    %c0_i32 = arith.constant 0 : i32
    %c0_i32_0 = arith.constant 0 : i32
    %c0_i32_1 = arith.constant 0 : i32
    return %c0_i32, %c0_i32_0 : i32, i32
  }
  func.func @transform_7(%arg0: i32) -> (i32, i32) {
    %c0_i32 = arith.constant 0 : i32
    %c0_i32_0 = arith.constant 0 : i32
    %c0_i32_1 = arith.constant 0 : i32
    return %c0_i32, %c0_i32_0 : i32, i32
  }
  func.func @transform_8(%arg0: i32) -> (i32, i32) {
    %c0_i32 = arith.constant 0 : i32
    %c0_i32_0 = arith.constant 0 : i32
    return %arg0, %c0_i32 : i32, i32
  }
}

</mosaic_0001>

<sc_bundles>
// kernel: kernel.4.cloned.1.call-start
scs
__scs_entry_jumppad:
0x0: {  	(pc) =	sbr.rel $0x88, $3  }
0x1: {  	(tag) =	ssettag $0x0;
	lr =	simm.s32 $0x1  }
0x2: {  	[smem:$0x3F9C] =	sst lr;
	_ =	strace $0xD0000000  }
0x3: {  	_ = 	snop  }
0x4: {  	_ = 	snop  }
0x5: {  	_ = 	snop  }
0x6: {  	_ = 	snop  }
0x7: {  	_ = 	snop  }
__scs_overlays_trampoline_lowered:
0x8: {  	[smem:$0x3FAB] =	sst s0  }
0x9: {  	[smem:$0x3FAC] =	sst s1  }
0xa: {  	[smem:$0x3FAD] =	sst s2  }
0xb: {  	[smem:$0x3FAE] =	sst s3  }
0xc: {  	[smem:$0x3FAF] =	sst s4  }
0xd: {  	[smem:$0x3FB0] =	sst s5  }
0xe: {  	[smem:$0x3FB1] =	sst s6  }
0xf: {  	[smem:$0x3FB2] =	sst s7  }
0x10: {  	[smem:$0x3FB3] =	sst s8  }
0x11: {  	[smem:$0x3FB4] =	sst s9;
	s0 =	simm.s32 @!p0 $0x0  }
0x12: {  	s1 =	sld [smem:$0x3F9A];
	s0 =	simm.s32 @p0 $0x1  }
0x13: {  	[smem:$0x3FB5] =	sst s0;
	s0 =	simm.s32 @!p1 $0x0  }
0x14: {  	s2 =	sld [smem:$0x3F99];
	s0 =	simm.s32 @p1 $0x1  }
0x15: {  	[smem:$0x3FB6] =	sst s0;
	s0 =	simm.s32 @!p2 $0x0  }
0x16: {  	s3 =	sld [smem:$0x3FDB];
	s0 =	simm.s32 @p2 $0x1  }
0x17: {  	s4 =	simm.s32 $0x1BF5;
	[smem:$0x3FB8] =	sst s0  }
0x18: {  	s0 =	sld [smem:$0x3F9B];
	_ =	swait.ge [sflag:s4], $0x0  }
0x19: {  	s7 =	sld [smem:$0x3F9C]  }
0x1a: {  	s8 =	sadd.s32 $0xFFFFE003, lr  }
0x1b: {  	s9 =	sadd.s32 $0xFFFFFEF7, lr;
	s5 =	simm.s32 $0xFFFFFFFF;
	p2 =	slt.u32 s8, $0xFFFFF086  }
0x1c: {  	p1 =	slt.u32 s9, $0xF7A;
	s5 =	simm.s32 @!p2 $0x0  }
0x1d: {  	s5 =	simm.s32 @p1 $0x1;
	p0 =	seq.s32 s7, s2  }
0x1e: {  	s7 =	smul.u32 @!p0 $0xF7A, s2;
	p2 =	seq.s32 @!p0 s5, $0x0  }
0x1f: {  	s9 =	smul.u32 $0xF7A, s1;
	s8 =	simm.s32 @!p0 $0x1BF5;
	p2 =	por !p2, p0  }
0x20: {  	[sflag:s8] =	ssyncset.s32 @!p0 $0xFFFFF086;
	s6 =	sadd.s32 @!p0 s3, s7;
	s7 =	simm.s32 @!p0 $0x108  }
0x21: {  	s3 =	sadd.s32 s3, s9;
	s6 =	sadd.s32 @!p0 $0x88, s6;
	s7 =	simm.s32 @p2 $0x1082  }
0x22: {  	[simem:s7], [sflag:s8] =	dma.local @!p0 [hbm:s6], $0xF7A  }
0x23: {  	s9 =	sor.u32 $0xD0000000, s2;
	s6 =	simm.s32 $0x108;
	_ =	swait.ge @!p0 [sflag:s8], $0x0  }
0x24: {  	s3 =	sadd.s32 $0x88, s3;
	s6 =	simm.s32 @!p1 $0x1082;
	[sflag:s4] =	ssyncset.s32 $0xFFFFF086  }
0x25: {  	[simem:s6], [sflag:s4] =	dma.local [hbm:s3], $0xF7A  }
0x26: {  	[smem:$0x3F9C] =	sst s1;
	(tag) =	ssettag s2;
	_ =	strace s9  }
0x27: {  	s1 =	sld [smem:$0x3FAC]  }
0x28: {  	s2 =	sld [smem:$0x3FAD]  }
0x29: {  	s4 =	sld [smem:$0x3FAF]  }
0x2a: {  	p0 =	seq.s32 s5, $0x0;
	s5 =	sld [smem:$0x3FB0]  }
0x2b: {  	s6 =	sld [smem:$0x3FB1]  }
0x2c: {  	s7 =	sld [smem:$0x3FB2]  }
0x2d: {  	s3 =	simm.s32 $0x108;
	s8 =	sld [smem:$0x3FB3]  }
0x2e: {  	s3 =	simm.s32 @!p0 $0x1082;
	s9 =	sld [smem:$0x3FB4]  }
0x2f: {  	lr =	sadd.s32 s0, s3;
	s0 =	sld [smem:$0x3FAB]  }
0x30: {  	s3 =	sld [smem:$0x3FAE]  }
0x31: {  	[smem:$0x3FB7] =	sst s10  }
0x32: {  	s10 =	sld [smem:$0x3FB5];
	_ =	sdelay $0x3  }
0x33: {  	p0 =	seq.s32 s10, $0x1;
	s10 =	sld [smem:$0x3FB7];
	_ =	sdelay $0x3  }
0x34: {  	[smem:$0x3FB7] =	sst s10  }
0x35: {  	s10 =	sld [smem:$0x3FB6];
	_ =	sdelay $0x3  }
0x36: {  	p1 =	seq.s32 s10, $0x1;
	s10 =	sld [smem:$0x3FB7];
	_ =	sdelay $0x3  }
0x37: {  	[smem:$0x3FB7] =	sst s10  }
0x38: {  	s10 =	sld [smem:$0x3FB8]  }
0x39: {  	_ = 	snop;
	(pc) =	sbr.ind lr, $3  }
0x3a: {  	_ = 	snop  }
0x3b: {  	_ = 	snop  }
0x3c: {  	p2 =	seq.s32 s10, $0x1;
	s10 =	sld [smem:$0x3FB7]  }
0x3d: {  	_ =	shalt  }
0x3e: {  	_ =	shalt  }
0x3f: {  	_ =	shalt  }
0x40: {  	_ =	shalt  }
0x41: {  	_ =	shalt  }
0x42: {  	_ =	shalt  }
0x43: {  	_ =	shalt  }
0x44: {  	_ =	shalt  }
0x45: {  	_ =	shalt  }
0x46: {  	_ =	shalt  }
0x47: {  	_ =	shalt  }
0x48: {  	_ =	shalt  }
0x49: {  	_ =	shalt  }
0x4a: {  	_ =	shalt  }
0x4b: {  	_ =	shalt  }
0x4c: {  	_ =	shalt  }
0x4d: {  	_ =	shalt  }
0x4e: {  	_ =	shalt  }
0x4f: {  	_ =	shalt  }
0x50: {  	_ =	shalt  }
0x51: {  	_ =	shalt  }
0x52: {  	_ =	shalt  }
0x53: {  	_ =	shalt  }
0x54: {  	_ =	shalt  }
0x55: {  	_ =	shalt  }
0x56: {  	_ =	shalt  }
0x57: {  	_ =	shalt  }
0x58: {  	_ =	shalt  }
0x59: {  	_ =	shalt  }
0x5a: {  	_ =	shalt  }
0x5b: {  	_ =	shalt  }
0x5c: {  	_ =	shalt  }
0x5d: {  	_ =	shalt  }
0x5e: {  	_ =	shalt  }
0x5f: {  	_ =	shalt  }
0x60: {  	_ =	shalt  }
0x61: {  	_ =	shalt  }
0x62: {  	_ =	shalt  }
0x63: {  	_ =	shalt  }
0x64: {  	_ =	shalt  }
0x65: {  	_ =	shalt  }
0x66: {  	_ =	shalt  }
0x67: {  	_ =	shalt  }
0x68: {  	_ =	shalt  }
0x69: {  	_ =	shalt  }
0x6a: {  	_ =	shalt  }
0x6b: {  	_ =	shalt  }
0x6c: {  	_ =	shalt  }
0x6d: {  	_ =	shalt  }
0x6e: {  	_ =	shalt  }
0x6f: {  	_ =	shalt  }
0x70: {  	_ =	shalt  }
0x71: {  	_ =	shalt  }
0x72: {  	_ =	shalt  }
0x73: {  	_ =	shalt  }
0x74: {  	_ =	shalt  }
0x75: {  	_ =	shalt  }
0x76: {  	_ =	shalt  }
0x77: {  	_ =	shalt  }
0x78: {  	_ =	shalt  }
0x79: {  	_ =	shalt  }
0x7a: {  	_ =	shalt  }
0x7b: {  	_ =	shalt  }
0x7c: {  	_ =	shalt  }
0x7d: {  	_ =	shalt  }
0x7e: {  	_ =	shalt  }
0x7f: {  	_ =	shalt  }
0x80: {  	_ =	shalt  }
0x81: {  	_ =	shalt  }
0x82: {  	_ =	shalt  }
0x83: {  	_ =	shalt  }
0x84: {  	_ =	shalt  }
0x85: {  	_ =	shalt  }
0x86: {  	_ =	shalt  }
0x87: {  	_ =	shalt  }
.Lfunc_end0:
.L_simem_size_0:
called_computation_lowered:
.L_overlay_start_0:
0x88: {  	s2 =	sld [smem:$0x3FD9]  }
0x89: {  	s3 =	sld [smem:$0x3FFE];
	_ =	sdelay $0x1  }
0x8a: {  	s1 =	srdreg.scid  }
0x8b: {  	s0 =	sand.u32 $0x1, s1  }
0x8c: {  	s17 =	sshll.u32 s0, $0xA;
	s2 =	sadd.s32 s3, s2  }
0x8d: {  	s2 =	sadd.s32 s2, s17  }
0x8e: {  	[smem:$0x3FC3] =	sst s2  }
0x8f: {  	_ = 	snop  }
0x90: {  	s2 =	sld [smem:$0x3FD0];
	(tm) =	ssettm $0x1  }
0x91: {  	s18 =	sld [smem:$0x3FFB];
	_ =	sdelay $0x3  }
0x92: {  	_ =	strace s18  }
0x93: {  	s3 =	sld [smem:$0x3FFC];
	_ =	sdelay $0x3  }
0x94: {  	_ =	strace s3  }
0x95: {  	s3 =	sld [smem:$0x3FFD];
	_ =	sdelay $0x3  }
0x96: {  	_ =	strace s3  }
0x97: {  	_ =	strace $0x8FFFFFFF  }
0x98: {  	s19 =	sld [smem:$0x3FDB];
	_ =	sdelay $0x1  }
0x99: {  	s4 =	simm.s32 $_scs_section_size  }
0x9a: {  	s5 =	simm.s32 $_size__tile_overlayer_lowered;
	s6 =	simm.s32 $_tile_overlayer_lowered  }
0x9b: {  	s22 =	simm.s32 $0x1BFF;
	s21 =	sshll.u32 s6, $0x1;
	s3 =	sadd.s32 s4, s19  }
0x9c: {  	s7 =	simm.s32 $0x0;
	s20 =	sshll.u32 s5, $0x1;
	s5 =	sadd.s32 s21, s3  }
0x9d: {  	[timem:s7], [sflag:s22] =	dma.local [hbm:s5], s20  }
0x9e: {  	_ =	swait.ge [sflag:s22], s20  }
0x9f: {  	s4 =	ssub.s32 $0x0, s20;
	[sflag:s22] =	ssyncset.done $0x0  }
0xa0: {  	[sflag:s22] =	ssyncadd.s32 s4;
	_ =	sdelay $0x1  }
0xa1: {  	s23 =	simm.s32 $0x1B8B  }
0xa2: {  	_ =	swait.ge [sflag:s23], $0x1  }
0xa3: {  	[sflag:s23] =	ssyncset.done $0x0  }
0xa4: {  	s25 =	simm.s32 $0x1B8E;
	s24 =	sld [smem:$0x3FFE];
	[sflag:s23] =	ssyncadd.s32 $0xFFFFFFFF  }
0xa5: {  	s26 =	simm.s32 $execute0_lowered;
	[smem:$0x3FD2] =	sst s25  }
0xa6: {  	s5 =	sshll.u32 s26, $0x1;
	_ =	strace $0x80000046;
	[dreg:$0x1] =	wrdreg $0xFFFFFFFF  }
0xa7: {  	s28 =	simm.s32 $_size_execute0_lowered;
	s3 =	sadd.s32 s3, s5;
	[dreg:$0x0] =	wrdreg $0x0  }
0xa8: {  	s5 =	sshll.u32 s28, $0x1;
	[dreg:$0x2] =	wrdreg s3  }
0xa9: {  	[dreg:$0x3] =	wrdreg s5  }
0xaa: {  	[dreg:$0x4] =	wrdreg $0xC0  }
0xab: {  	_ =	task [dreg:s7], $0x5FFFF  }
0xac: {  	[dreg:$0x1] =	wrdreg $0xFFFFFFFF  }
0xad: {  	[dreg:$0x0] =	wrdreg $0x60  }
0xae: {  	[dreg:$0x2] =	wrdreg s2  }
0xaf: {  	[dreg:$0x3] =	wrdreg s24  }
0xb0: {  	[dreg:$0x4] =	wrdreg $0x29000  }
0xb1: {  	[dreg:$0x5] =	wrdreg $0xC7000  }
0xb2: {  	[dreg:$0x6] =	wrdreg $0x9  }
0xb3: {  	_ =	task.clear_ibuf [dreg:s7], $0x7FFFF;
	_ =	strace $0x90000046  }
0xb4: {  	s29 =	simm.s32 $0x9;
	_ =	strace $0x80000048  }
0xb5: {  	_ =	swait.ge [sflag:s29], $0x1  }
0xb6: {  	[sflag:s29] =	ssyncadd.s32 $0xFFFFFFFF  }
0xb7: {  	_ =	strace $0x90000048  }
0xb8: {  	_ =	sfence  }
0xb9: {  	s30 =	sld [smem:$0x0];
	_ =	sdelay $0x2  }
0xba: {  	s31 =	sshll.u32 s1, $0xD;
	s1 =	sshrl.u32 s1, $0x2  }
0xbb: {  	s3 =	sand.u32 $0x4000, s31;
	s1 =	sadd.s32 s1, s30  }
0xbc: {  	s0 =	sor.u32 s3, s0;
	s1 =	sshll.u32 s1, $0x11  }
0xbd: {  	s0 =	sor.u32 s1, s0  }
0xbe: {  	s0 =	sadd.s32 $0x8F2B, s0  }
0xbf: {  	[sflag:s0] =	ssyncadd.remote.s32 $0x1  }
0xc0: {  	_ =	sfence.sel $0xFFFF  }
0xc1: {  	[dreg:$0x0] =	wrdreg $0xFFFFFFFF;
	(pc) =	sbr.abs _section_cstart, $3  }
0xc2: {  	[dreg:$0x1] =	wrdreg $0xFFFFFFFF  }
0xc3: {  	_ =	task.clear_ibuf [dreg:s7], $0x2FFFF;
	_ =	strace $0x9FFFFFFF  }
0xc4: {  	(tm) =	ssettm $0x7FFFFFFF  }
0xc5: {  	_ =	shalt  }
tec
execute0_lowered:
.L_overlay_start_1:
0x0: {  	(tag) =	ssettag $0x1  }
0x1: {  	s1 =	rddreg [dreg:$0x0]  }
0x2: {  	s0 =	rddreg [dreg:$0x1]  }
0x3: {  	s2 =	rddreg [dreg:$0x2]  }
0x4: {  	s4 =	rddreg [dreg:$0x3]  }
0x5: {  	s5 =	simm.s32 $0x0;
	s22 =	stileid.u32;
	s3 =	srdreg.scid  }
0x6: {  	[smem:$0x7FF] =	sst s5;
	s3 =	sand.u32 $0x1, s3;
	s7 =	smul.u32 $0x278, s22  }
0x7: {  	s6 =	sadd.s32 $0x1800, s0;
	s8 =	sshll.u32 s22, $0x4;
	s10 =	sadd.s32 $0x29600, s0  }
0x8: {  	p0 =	slt.u32 s22, $0x4;
	s23 =	sadd.s32 $0x29200, s0;
	_ =	strace $0x80000047  }
0x9: {  	s9 =	ssub.s32 $0x2, s3;
	s12 =	smul.u32 $0x9E000, s3;
	s8 =	sadd.s32 s8, s0  }
0xa: {  	p1 =	seq.s32 s3, $0x0;
	[dreg:$0xc] =	wrdreg s23;
	s11 =	sshrl.u32 s9, $0x1  }
0xb: {  	s13 =	sadd.s32 $0x80, s7;
	s15 =	sadd.s32 $0x100, s7;
	s21 =	sadd.s32 $0x180, s7  }
0xc: {  	s7 =	sadd.s32 $0x200, s7;
	s28 =	sadd.s32 $0x1F000, s8;
	s9 =	ssub.s32 s9, s11  }
0xd: {  	s11 =	smul.u32 $0x9E00, s22;
	s14 =	sshll.u32 s13, $0x6;
	s18 =	sshll.u32 s15, $0x6  }
0xe: {  	s19 =	sshll.u32 s21, $0x6;
	s20 =	sshll.u32 s7, $0x6;
	s17 =	sadd.s32 s12, s14  }
0xf: {  	s25 =	sadd.s32 s12, s18;
	s26 =	sadd.s32 s12, s19;
	s18 =	sadd.s32 s18, s2  }
0x10: {  	s19 =	sadd.s32 s19, s2;
	s16 =	sadd.s32 s11, s12;
	s17 =	sshrl.u32 s17, $0x3  }
0x11: {  	s12 =	sadd.s32 s12, s20;
	s29 =	sshrl.u32 s26, $0x3;
	s20 =	sadd.s32 s20, s2  }
0x12: {  	s26 =	sshll.u32 s15, $0x3;
	s16 =	sshrl.u32 s16, $0x3;
	s24 =	sadd.s32 s10, s17  }
0x13: {  	s12 =	sshrl.u32 s12, $0x3;
	s17 =	sadd.s32 $0x29400, s0;
	[dreg:$0x6] =	wrdreg s24  }
0x14: {  	s23 =	sadd.s32 s26, s4;
	s16 =	sadd.s32 s10, s16;
	[dreg:$0xb] =	wrdreg s17  }
0x15: {  	s24 =	smul.u32 $0x4F00, s22;
	[dreg:$0x5] =	wrdreg s16;
	s16 =	sshrl.u32 s25, $0x3  }
0x16: {  	s17 =	sadd.s32 s14, s2;
	s25 =	sshll.u32 s13, $0x3;
	s16 =	sadd.s32 s10, s16  }
0x17: {  	[dreg:$0x7] =	wrdreg s16;
	s16 =	sadd.s32 s10, s29;
	s10 =	sadd.s32 s10, s12  }
0x18: {  	s12 =	simm.s32 $0x9D;
	s29 =	sshll.u32 s21, $0x3;
	[dreg:$0x8] =	wrdreg s16  }
0x19: {  	[dreg:$0x9] =	wrdreg s10;
	s12 =	simm.s32 @!p0 $0x9C;
	p0 =	sne.s32 s3, $0x0  }
0x1a: {  	s16 =	sadd.s32 $0x28E00, s0;
	s0 =	sadd.s32 $0x50E00, s0;
	s3 =	sshrl.u32 s24, $0x2  }
0x1b: {  	s10 =	smul.u32 $0x13C0, s22;
	s22 =	sadd.s32 s25, s4;
	s24 =	sadd.s32 s29, s4  }
0x1c: {  	s29 =	sshll.u32 s7, $0x3;
	[dreg:$0xa] =	wrdreg s16;
	s16 =	sadd.s32 s11, s2  }
0x1d: {  	s3 =	sadd.s32 s3, s4;
	s14 =	sadd.s32 s0, s13;
	s25 =	sadd.s32 s0, s15  }
0x1e: {  	s26 =	sadd.s32 s0, s21;
	s30 =	sadd.s32 s0, s7;
	[dreg:$0xd] =	wrdreg s3  }
0x1f: {  	s31 =	sadd.s32 s29, s4;
	s13 =	simm.s32 $0x80;
	[dreg:$0xf] =	wrdreg s14  }
.Ltmp0:
0x20: {  	s15 =	simm.s32 $0x0;
	[dreg:$0x10] =	wrdreg s25;
	(pc) =	sbr.rel .LBB2_1-.Ltmp0, $4  }
0x21: {  	s11 =	sshrl.u32 s10, $0x3;
	[dreg:$0x11] =	wrdreg s26;
	s26 =	sadd.s32 $0x15200, s8  }
0x22: {  	s8 =	simm.s32 $0x100;
	s14 =	simm.s32 $0x1;
	s3 =	sadd.s32 s0, s11  }
0x23: {  	s0 =	sadd.s32 s10, s4;
	s10 =	simm.s32 $0x2500;
	s11 =	simm.s32 $0x2100  }
0x24: {  	[dreg:$0xe] =	wrdreg s3;
	s3 =	smax.u32 s9, $0x1;
	s9 =	simm.s32 $0x2  }
.LBB2_7:
0x25: {  	[sflag:s9] =	ssyncadd.s32 $0xFFFFFC00  }
.LBB2_8:
0x26: {  	[bflag:$0x0] =	sbarrier.arrive $0xFFFF  }
0x27: {  	[tilespmem:s8], [sflag:$0x2] =	stream.linear.gather [spmem:s16], $0x2000, $0x38;
	[tilespmem:$0xDAC0] =	vst v63  }
0x28: {  	_ =	swait.ge [sflag:s9], $0x2000  }
0x29: {  	[sflag:s9] =	ssyncset.done $0x0  }
0x2a: {  	s7 =	rddreg [dreg:$0x5];
	[sflag:s9] =	ssyncadd.s32 $0xFFFFE000  }
0x2b: {  	[hbm4b:s7+s5] =	stream.linear.scatter [tilespmem:s8], [sflag:$0x2], $0x2000, $0x38;
	[tilespmem:$0xDAC0] =	vst v63  }
0x2c: {  	_ =	swait.ge [sflag:s9], $0x2000  }
0x2d: {  	[sflag:s9] =	ssyncset.done $0x0  }
0x2e: {  	[sflag:s9] =	ssyncadd.s32 $0xFFFFE000  }
0x2f: {  	[tilespmem:s8], [sflag:$0x2] =	stream.linear.gather [spmem:s17], $0x2000, $0x38;
	[tilespmem:$0xDAC0] =	vst v63  }
0x30: {  	_ =	swait.ge [sflag:s9], $0x2000  }
0x31: {  	[sflag:s9] =	ssyncset.done $0x0  }
0x32: {  	s29 =	rddreg [dreg:$0x6];
	[sflag:s9] =	ssyncadd.s32 $0xFFFFE000  }
0x33: {  	[hbm4b:s29+s5] =	stream.linear.scatter [tilespmem:s8], [sflag:$0x2], $0x2000, $0x38;
	[tilespmem:$0xDAC0] =	vst v63  }
0x34: {  	_ =	swait.ge [sflag:s9], $0x2000  }
0x35: {  	[sflag:s9] =	ssyncset.done $0x0  }
0x36: {  	[sflag:s9] =	ssyncadd.s32 $0xFFFFE000  }
0x37: {  	[tilespmem:s8], [sflag:$0x2] =	stream.linear.gather [spmem:s18], $0x2000, $0x38;
	[tilespmem:$0xDAC0] =	vst v63  }
0x38: {  	_ =	swait.ge [sflag:s9], $0x2000  }
0x39: {  	[sflag:s9] =	ssyncset.done $0x0  }
0x3a: {  	s21 =	rddreg [dreg:$0x7];
	[sflag:s9] =	ssyncadd.s32 $0xFFFFE000  }
0x3b: {  	[hbm4b:s21+s5] =	stream.linear.scatter [tilespmem:s8], [sflag:$0x2], $0x2000, $0x38;
	[tilespmem:$0xDAC0] =	vst v63  }
0x3c: {  	_ =	swait.ge [sflag:s9], $0x2000  }
0x3d: {  	[sflag:s9] =	ssyncset.done $0x0  }
0x3e: {  	[sflag:s9] =	ssyncadd.s32 $0xFFFFE000  }
0x3f: {  	[tilespmem:s8], [sflag:$0x2] =	stream.linear.gather [spmem:s19], $0x2000, $0x38;
	[tilespmem:$0xDAC0] =	vst v63  }
0x40: {  	_ =	swait.ge [sflag:s9], $0x2000  }
0x41: {  	[sflag:s9] =	ssyncset.done $0x0  }
0x42: {  	s25 =	rddreg [dreg:$0x8];
	[sflag:s9] =	ssyncadd.s32 $0xFFFFE000  }
0x43: {  	[hbm4b:s25+s5] =	stream.linear.scatter [tilespmem:s8], [sflag:$0x2], $0x2000, $0x38;
	[tilespmem:$0xDAC0] =	vst v63  }
0x44: {  	_ =	swait.ge [sflag:s9], $0x2000  }
0x45: {  	[sflag:s9] =	ssyncset.done $0x0  }
0x46: {  	[sflag:s9] =	ssyncadd.s32 $0xFFFFE000  }
0x47: {  	[tilespmem:s8], [sflag:$0x2] =	stream.linear.gather [spmem:s20], $0x1E00, $0x38;
	[tilespmem:$0xDAC0] =	vst v63  }
0x48: {  	_ =	swait.ge [sflag:s9], $0x1E00  }
0x49: {  	[sflag:s9] =	ssyncset.done $0x0  }
0x4a: {  	s29 =	rddreg [dreg:$0x9];
	[sflag:s9] =	ssyncadd.s32 $0xFFFFE200  }
0x4b: {  	[hbm4b:s29+s5] =	stream.linear.scatter [tilespmem:s8], [sflag:$0x2], $0x1E00, $0x38;
	[tilespmem:$0xDAC0] =	vst v63  }
0x4c: {  	_ =	swait.ge [sflag:s9], $0x1E00  }
0x4d: {  	[sflag:s9] =	ssyncset.done $0x0  }
0x4e: {  	s7 =	simm.s32 @!p1 $0x2500;
	s21 =	simm.s32 @!p1 $0x2;
	[sflag:s9] =	ssyncadd.s32 $0xFFFFE200  }
0x4f: {  	[tilespmem:s7], [sflag:$0x2] =	stream.linear.gather @!p1 [spmem:s0], $0x400, $0x38;
	[tilespmem:$0xDAC0] =	vst v63  }
0x50: {  	_ =	swait.ge @!p1 [sflag:s21], $0x400  }
0x51: {  	[sflag:s21] =	ssyncset.done @!p1 $0x0  }
0x52: {  	s25 =	simm.s32 @!p1 $0x0;
	s29 =	rddreg [dreg:$0xe];
	[sflag:s21] =	ssyncadd.s32 @!p1 $0xFFFFFC00  }
0x53: {  	[hbm4b:s29+s25] =	stream.linear.scatter @!p1 [tilespmem:s7], [sflag:$0x2], $0x400, $0x38;
	[tilespmem:$0xDAC0] =	vst v63  }
0x54: {  	_ =	swait.ge @!p1 [sflag:s21], $0x400  }
0x55: {  	[sflag:s21] =	ssyncset.done @!p1 $0x0  }
0x56: {  	[sflag:s21] =	ssyncadd.s32 @!p1 $0xFFFFFC00  }
0x57: {  	[tilespmem:s7], [sflag:$0x2] =	stream.linear.gather @!p1 [spmem:s22], $0x400, $0x38;
	[tilespmem:$0xDAC0] =	vst v63  }
0x58: {  	_ =	swait.ge @!p1 [sflag:s21], $0x400  }
0x59: {  	[sflag:s21] =	ssyncset.done @!p1 $0x0  }
0x5a: {  	s29 =	rddreg [dreg:$0xf];
	[sflag:s21] =	ssyncadd.s32 @!p1 $0xFFFFFC00  }
0x5b: {  	[hbm4b:s29+s25] =	stream.linear.scatter @!p1 [tilespmem:s7], [sflag:$0x2], $0x400, $0x38;
	[tilespmem:$0xDAC0] =	vst v63  }
0x5c: {  	_ =	swait.ge @!p1 [sflag:s21], $0x400  }
0x5d: {  	[sflag:s21] =	ssyncset.done @!p1 $0x0  }
0x5e: {  	[sflag:s21] =	ssyncadd.s32 @!p1 $0xFFFFFC00  }
0x5f: {  	[tilespmem:s7], [sflag:$0x2] =	stream.linear.gather @!p1 [spmem:s23], $0x400, $0x38;
	[tilespmem:$0xDAC0] =	vst v63  }
0x60: {  	_ =	swait.ge @!p1 [sflag:s21], $0x400  }
0x61: {  	[sflag:s21] =	ssyncset.done @!p1 $0x0  }
0x62: {  	s29 =	rddreg [dreg:$0x10];
	[sflag:s21] =	ssyncadd.s32 @!p1 $0xFFFFFC00  }
0x63: {  	[hbm4b:s29+s25] =	stream.linear.scatter @!p1 [tilespmem:s7], [sflag:$0x2], $0x400, $0x38;
	[tilespmem:$0xDAC0] =	vst v63  }
0x64: {  	_ =	swait.ge @!p1 [sflag:s21], $0x400  }
0x65: {  	[sflag:s21] =	ssyncset.done @!p1 $0x0  }
0x66: {  	[sflag:s21] =	ssyncadd.s32 @!p1 $0xFFFFFC00  }
0x67: {  	[tilespmem:s7], [sflag:$0x2] =	stream.linear.gather @!p1 [spmem:s24], $0x400, $0x38;
	[tilespmem:$0xDAC0] =	vst v63  }
0x68: {  	_ =	swait.ge @!p1 [sflag:s21], $0x400  }
0x69: {  	[sflag:s21] =	ssyncset.done @!p1 $0x0  }
0x6a: {  	s29 =	rddreg [dreg:$0x11];
	[sflag:s21] =	ssyncadd.s32 @!p1 $0xFFFFFC00  }
0x6b: {  	[hbm4b:s29+s25] =	stream.linear.scatter @!p1 [tilespmem:s7], [sflag:$0x2], $0x400, $0x38;
	[tilespmem:$0xDAC0] =	vst v63  }
0x6c: {  	_ =	swait.ge @!p1 [sflag:s21], $0x400  }
0x6d: {  	[sflag:s21] =	ssyncset.done @!p1 $0x0  }
0x6e: {  	[sflag:s21] =	ssyncadd.s32 @!p1 $0xFFFFFC00  }
0x6f: {  	[tilespmem:s7], [sflag:$0x2] =	stream.linear.gather @!p1 [spmem:s31], $0x3C0, $0x38;
	[tilespmem:$0xDAC0] =	vst v63  }
0x70: {  	s15 =	sadd.s32 $0x1, s15;
	_ =	swait.ge @!p1 [sflag:s21], $0x3C0  }
0x71: {  	p2 =	sne.s32 s15, s3;
	[sflag:s21] =	ssyncset.done @!p1 $0x0  }
.Ltmp1:
0x72: {  	[sflag:s21] =	ssyncadd.s32 @!p1 $0xFFFFFC40;
	(pc) =	sbr.rel @!p2 .LBB2_9-.Ltmp1, $4  }
0x73: {  	[hbm4b:s30+s25] =	stream.linear.scatter @!p1 [tilespmem:s7], [sflag:$0x2], $0x3C0, $0x38;
	[tilespmem:$0xDAC0] =	vst v63  }
0x74: {  	_ =	swait.ge @!p1 [sflag:s21], $0x3C0  }
0x75: {  	[sflag:s21] =	ssyncset.done @!p1 $0x0  }
0x76: {  	[sflag:s21] =	ssyncadd.s32 @!p1 $0xFFFFFC40  }
.LBB2_1:
0x77: {  	s7 =	rddreg [dreg:$0xa]  }
0x78: {  	[tilespmem:s8], [sflag:$0x2] =	stream.linear.gather [hbm4b:s7+s5], $0x2000, $0x38;
	[tilespmem:$0xDAC0] =	vst v63  }
0x79: {  	_ =	swait.ge [sflag:s9], $0x2000  }
0x7a: {  	[sflag:s9] =	ssyncset.done $0x0  }
0x7b: {  	s25 =	rddreg [dreg:$0xb];
	[sflag:s9] =	ssyncadd.s32 $0xFFFFE000  }
0x7c: {  	[tilespmem:s10], [sflag:$0x2] =	stream.linear.gather [hbm4b:s25+s5], $0x400, $0x38;
	[tilespmem:$0xDAC0] =	vst v63  }
0x7d: {  	_ =	swait.ge [sflag:s9], $0x400  }
0x7e: {  	[sflag:s9] =	ssyncset.done $0x0  }
0x7f: {  	[sflag:s9] =	ssyncadd.s32 $0xFFFFFC00  }
0x80: {  	[spmem:s16] =	stream.linear.scatter [tilespmem:s8], [sflag:$0x2], $0x2000, $0x38;
	[tilespmem:$0xDAC0] =	vst v63  }
0x81: {  	_ =	swait.ge [sflag:s9], $0x2000  }
0x82: {  	[sflag:s9] =	ssyncset.done $0x0  }
0x83: {  	[sflag:s9] =	ssyncadd.s32 $0xFFFFE000  }
0x84: {  	[spmem:s17] =	stream.linear.scatter [tilespmem:s8], [sflag:$0x2], $0x2000, $0x38;
	[tilespmem:$0xDAC0] =	vst v63  }
0x85: {  	_ =	swait.ge [sflag:s9], $0x2000  }
0x86: {  	[sflag:s9] =	ssyncset.done $0x0  }
0x87: {  	[sflag:s9] =	ssyncadd.s32 $0xFFFFE000  }
0x88: {  	[spmem:s18] =	stream.linear.scatter [tilespmem:s8], [sflag:$0x2], $0x2000, $0x38;
	[tilespmem:$0xDAC0] =	vst v63  }
0x89: {  	_ =	swait.ge [sflag:s9], $0x2000  }
0x8a: {  	[sflag:s9] =	ssyncset.done $0x0  }
0x8b: {  	[sflag:s9] =	ssyncadd.s32 $0xFFFFE000  }
0x8c: {  	[spmem:s19] =	stream.linear.scatter [tilespmem:s8], [sflag:$0x2], $0x2000, $0x38;
	[tilespmem:$0xDAC0] =	vst v63  }
0x8d: {  	_ =	swait.ge [sflag:s9], $0x2000  }
0x8e: {  	[sflag:s9] =	ssyncset.done $0x0  }
0x8f: {  	[sflag:s9] =	ssyncadd.s32 $0xFFFFE000  }
0x90: {  	[spmem:s20] =	stream.linear.scatter [tilespmem:s8], [sflag:$0x2], $0x1E00, $0x38;
	[tilespmem:$0xDAC0] =	vst v63  }
0x91: {  	_ =	swait.ge [sflag:s9], $0x1E00  }
0x92: {  	[sflag:s9] =	ssyncset.done $0x0  }
.Ltmp2:
0x93: {  	s29 =	rddreg [dreg:$0xc];
	[sflag:s9] =	ssyncadd.s32 $0xFFFFE200;
	(pc) =	sbr.rel @p0 .LBB2_5-.Ltmp2, $4  }
0x94: {  	[tilespmem:s11], [sflag:$0x2] =	stream.linear.gather [hbm4b:s29+s5], $0x400, $0x38;
	[tilespmem:$0xDAC0] =	vst v63  }
0x95: {  	_ =	swait.ge [sflag:s9], $0x400  }
0x96: {  	[sflag:s9] =	ssyncset.done $0x0  }
0x97: {  	[sflag:s9] =	ssyncadd.s32 $0xFFFFFC00  }
0x98: {  	[bflag:$0x0] =	sbarrier.arrive $0xFFFF  }
0x99: {  	[tilespmem:s5], [sflag:$0x2] =	stream.linear.gather [hbm4b:s28+s5], $0x80, $0x38;
	[tilespmem:$0xDAC0] =	vst v63  }
0x9a: {  	_ =	swait.ge [sflag:s9], $0x80  }
0x9b: {  	[sflag:s9] =	ssyncset.done $0x0  }
0x9c: {  	[sflag:s9] =	ssyncadd.s32 $0xFFFFFF80  }
0x9d: {  	[tilespmem:s13], [sflag:$0x2] =	stream.linear.gather [hbm4b:s26+s5], $0x80, $0x38;
	[tilespmem:$0xDAC0] =	vst v63  }
0x9e: {  	_ =	swait.ge [sflag:s9], $0x80  }
0x9f: {  	[sflag:s9] =	ssyncset.done $0x0  }
0xa0: {  	[sflag:s9] =	ssyncadd.s32 $0xFFFFFF80  }
0xa1: {  	[tilespmem:s8], [sflag:$0x1] =	stream.indirect.gather [hbm4b:s1+s13], $0x40, s5, s13, $0xb8;
	[tilespmem:$0xDAC0] =	vst v63  }
0xa2: {  	p2 =	seq.s32 s12, $0x1;
	_ =	swait.ge [sflag:s14], $0x2000  }
.Ltmp3:
0xa3: {  	[sflag:s14] =	ssyncset.done $0x0;
	(pc) =	sbr.rel @p2 .LBB2_4-.Ltmp3, $4  }
0xa4: {  	[sflag:s14] =	ssyncadd.s32 $0xFFFFE000  }
0xa5: {  	[spmem:s2] =	stream.indirect.scatter.add.f32 [tilespmem:s8], [sflag:$0x2], $0x40, s13, s13, $0xb8;
	[tilespmem:$0xDAC0] =	vst v63  }
0xa6: {  	s7 =	sadd.s32 $0xFFFFFFFF, s12;
	_ =	swait.ge [sflag:s9], $0x2000  }
0xa7: {  	s21 =	smov.u32 s26;
	s25 =	smov.u32 s28;
	[sflag:s9] =	ssyncset.done $0x0  }
.LBB2_3:
0xa8: {  	[sflag:s9] =	ssyncadd.s32 $0xFFFFE000;
	s21 =	sadd.s32 $0x100, s21;
	s25 =	sadd.s32 $0x100, s25  }
0xa9: {  	[tilespmem:s5], [sflag:$0x2] =	stream.linear.gather [hbm4b:s25+s5], $0x80, $0x38;
	[tilespmem:$0xDAC0] =	vst v63  }
0xaa: {  	p2 =	seq.s32 s7, $0x1;
	s7 =	sadd.s32 $0xFFFFFFFF, s7;
	_ =	swait.ge [sflag:s9], $0x80  }
0xab: {  	[sflag:s9] =	ssyncset.done $0x0  }
0xac: {  	[sflag:s9] =	ssyncadd.s32 $0xFFFFFF80  }
0xad: {  	[tilespmem:s13], [sflag:$0x2] =	stream.linear.gather [hbm4b:s21+s5], $0x80, $0x38;
	[tilespmem:$0xDAC0] =	vst v63  }
0xae: {  	_ =	swait.ge [sflag:s9], $0x80  }
0xaf: {  	[sflag:s9] =	ssyncset.done $0x0  }
0xb0: {  	[sflag:s9] =	ssyncadd.s32 $0xFFFFFF80  }
0xb1: {  	[tilespmem:s8], [sflag:$0x1] =	stream.indirect.gather [hbm4b:s1+s13], $0x40, s5, s13, $0xb8;
	[tilespmem:$0xDAC0] =	vst v63  }
0xb2: {  	_ =	swait.ge [sflag:s14], $0x2000  }
.Ltmp4:
0xb3: {  	[sflag:s14] =	ssyncset.done $0x0;
	(pc) =	sbr.rel @!p2 .LBB2_3-.Ltmp4, $4  }
0xb4: {  	[sflag:s14] =	ssyncadd.s32 $0xFFFFE000  }
0xb5: {  	[spmem:s2] =	stream.indirect.scatter.add.f32 [tilespmem:s8], [sflag:$0x2], $0x40, s13, s13, $0xb8;
	[tilespmem:$0xDAC0] =	vst v63  }
0xb6: {  	_ =	swait.ge [sflag:s9], $0x2000  }
0xb7: {  	[sflag:s9] =	ssyncset.done $0x0  }
.LBB2_4:
.Ltmp5:
0xb8: {  	(pc) =	sbr.rel .LBB2_8-.Ltmp5, $2  }
0xb9: {  	_ =	sdelay $0x2  }
0xba: {  	[sflag:s9] =	ssyncadd.s32 $0xFFFFE000  }
.LBB2_5:
0xbb: {  	s7 =	rddreg [dreg:$0xd]  }
0xbc: {  	[spmem:s7] =	stream.linear.scatter [tilespmem:s10], [sflag:$0x2], $0x400, $0x38;
	[tilespmem:$0xDAC0] =	vst v63  }
0xbd: {  	_ =	swait.ge [sflag:s9], $0x400  }
0xbe: {  	[sflag:s9] =	ssyncset.done $0x0  }
0xbf: {  	[sflag:s9] =	ssyncadd.s32 $0xFFFFFC00  }
0xc0: {  	[spmem:s22] =	stream.linear.scatter [tilespmem:s10], [sflag:$0x2], $0x400, $0x38;
	[tilespmem:$0xDAC0] =	vst v63  }
0xc1: {  	_ =	swait.ge [sflag:s9], $0x400  }
0xc2: {  	[sflag:s9] =	ssyncset.done $0x0  }
0xc3: {  	[sflag:s9] =	ssyncadd.s32 $0xFFFFFC00  }
0xc4: {  	[spmem:s23] =	stream.linear.scatter [tilespmem:s10], [sflag:$0x2], $0x400, $0x38;
	[tilespmem:$0xDAC0] =	vst v63  }
0xc5: {  	_ =	swait.ge [sflag:s9], $0x400  }
0xc6: {  	[sflag:s9] =	ssyncset.done $0x0  }
0xc7: {  	[sflag:s9] =	ssyncadd.s32 $0xFFFFFC00  }
0xc8: {  	[spmem:s24] =	stream.linear.scatter [tilespmem:s10], [sflag:$0x2], $0x400, $0x38;
	[tilespmem:$0xDAC0] =	vst v63  }
0xc9: {  	_ =	swait.ge [sflag:s9], $0x400  }
0xca: {  	[sflag:s9] =	ssyncset.done $0x0  }
0xcb: {  	[sflag:s9] =	ssyncadd.s32 $0xFFFFFC00  }
0xcc: {  	[spmem:s31] =	stream.linear.scatter [tilespmem:s10], [sflag:$0x2], $0x3C0, $0x38;
	[tilespmem:$0xDAC0] =	vst v63  }
0xcd: {  	_ =	swait.ge [sflag:s9], $0x3C0  }
0xce: {  	[sflag:s9] =	ssyncset.done $0x0  }
0xcf: {  	[sflag:s9] =	ssyncadd.s32 $0xFFFFFC40  }
0xd0: {  	[bflag:$0x0] =	sbarrier.arrive $0xFFFF  }
0xd1: {  	[tilespmem:s5], [sflag:$0x2] =	stream.linear.gather [hbm4b:s28+s5], $0x80, $0x38;
	[tilespmem:$0xDAC0] =	vst v63  }
0xd2: {  	_ =	swait.ge [sflag:s9], $0x80  }
0xd3: {  	[sflag:s9] =	ssyncset.done $0x0  }
0xd4: {  	[sflag:s9] =	ssyncadd.s32 $0xFFFFFF80  }
0xd5: {  	[tilespmem:s13], [sflag:$0x2] =	stream.linear.gather [hbm4b:s26+s5], $0x80, $0x38;
	[tilespmem:$0xDAC0] =	vst v63  }
0xd6: {  	_ =	swait.ge [sflag:s9], $0x80  }
0xd7: {  	[sflag:s9] =	ssyncset.done $0x0  }
0xd8: {  	[sflag:s9] =	ssyncadd.s32 $0xFFFFFF80  }
0xd9: {  	[tilespmem:s8], [sflag:$0x1] =	stream.indirect.gather [hbm4b:s6+s13], $0x40, s5, s13, $0xb8;
	[tilespmem:$0xDAC0] =	vst v63  }
0xda: {  	_ =	swait.ge [sflag:s14], $0x2000  }
0xdb: {  	[sflag:s14] =	ssyncset.done $0x0  }
0xdc: {  	[sflag:s14] =	ssyncadd.s32 $0xFFFFE000  }
0xdd: {  	[spmem:s2] =	stream.indirect.scatter.add.f32 [tilespmem:s8], [sflag:$0x2], $0x40, s13, s13, $0xb8;
	[tilespmem:$0xDAC0] =	vst v63  }
0xde: {  	p2 =	sne.s32 s12, $0x1;
	_ =	swait.ge [sflag:s9], $0x2000  }
.Ltmp6:
0xdf: {  	[sflag:s9] =	ssyncset.done $0x0;
	(pc) =	sbr.rel @!p2 .LBB2_7-.Ltmp6, $4  }
0xe0: {  	[sflag:s9] =	ssyncadd.s32 $0xFFFFE000  }
0xe1: {  	[spmem:s4] =	stream.indirect.scatter.add.f32 [tilespmem:s11], [sflag:$0x2], $0x8, s13, s13, $0xb8;
	[tilespmem:$0xDAC0] =	vst v63  }
0xe2: {  	s25 =	sadd.s32 $0xFFFFFFFF, s12;
	_ =	swait.ge [sflag:s9], $0x400  }
0xe3: {  	s21 =	smov.u32 s26;
	s7 =	smov.u32 s28;
	[sflag:s9] =	ssyncset.done $0x0  }
.LBB2_6:
0xe4: {  	[sflag:s9] =	ssyncadd.s32 $0xFFFFFC00;
	s21 =	sadd.s32 $0x100, s21;
	s7 =	sadd.s32 $0x100, s7  }
0xe5: {  	[tilespmem:s5], [sflag:$0x2] =	stream.linear.gather [hbm4b:s7+s5], $0x80, $0x38;
	[tilespmem:$0xDAC0] =	vst v63  }
0xe6: {  	p2 =	sne.s32 s25, $0x1;
	s25 =	sadd.s32 $0xFFFFFFFF, s25;
	_ =	swait.ge [sflag:s9], $0x80  }
0xe7: {  	[sflag:s9] =	ssyncset.done $0x0  }
0xe8: {  	[sflag:s9] =	ssyncadd.s32 $0xFFFFFF80  }
0xe9: {  	[tilespmem:s13], [sflag:$0x2] =	stream.linear.gather [hbm4b:s21+s5], $0x80, $0x38;
	[tilespmem:$0xDAC0] =	vst v63  }
0xea: {  	_ =	swait.ge [sflag:s9], $0x80  }
0xeb: {  	[sflag:s9] =	ssyncset.done $0x0  }
0xec: {  	[sflag:s9] =	ssyncadd.s32 $0xFFFFFF80  }
0xed: {  	[tilespmem:s8], [sflag:$0x1] =	stream.indirect.gather [hbm4b:s6+s13], $0x40, s5, s13, $0xb8;
	[tilespmem:$0xDAC0] =	vst v63  }
0xee: {  	_ =	swait.ge [sflag:s14], $0x2000  }
0xef: {  	[sflag:s14] =	ssyncset.done $0x0  }
0xf0: {  	[sflag:s14] =	ssyncadd.s32 $0xFFFFE000  }
0xf1: {  	[spmem:s2] =	stream.indirect.scatter.add.f32 [tilespmem:s8], [sflag:$0x2], $0x40, s13, s13, $0xb8;
	[tilespmem:$0xDAC0] =	vst v63  }
0xf2: {  	_ =	swait.ge [sflag:s9], $0x2000  }
.Ltmp7:
0xf3: {  	[sflag:s9] =	ssyncset.done $0x0;
	(pc) =	sbr.rel @p2 .LBB2_6-.Ltmp7, $4  }
0xf4: {  	[sflag:s9] =	ssyncadd.s32 $0xFFFFE000  }
0xf5: {  	[spmem:s4] =	stream.indirect.scatter.add.f32 [tilespmem:s11], [sflag:$0x2], $0x8, s13, s13, $0xb8;
	[tilespmem:$0xDAC0] =	vst v63  }
0xf6: {  	_ =	swait.ge [sflag:s9], $0x400  }
0xf7: {  	[sflag:s9] =	ssyncset.done $0x0  }
.Ltmp8:
0xf8: {  	_ = 	snop;
	(pc) =	sbr.rel .LBB2_7-.Ltmp8, $1  }
0xf9: {  	_ =	sdelay $0x3  }
.LBB2_9:
0xfa: {  	_ =	sfence.sel $0x180000  }
0xfb: {  	[bflag:$0x0] =	sbarrier.arrive $0xFFFF  }
0xfc: {  	_ =	strace $0x90000047  }
0xfd: {  	s0 =	stileid.u32;
	[bflag:$0x2] =	sbarrier.arrive $0xFFFF  }
0xfe: {  	p0 =	sne.s32 s0, $0x0;
	s0 =	rddreg [dreg:$0x4]  }
0xff: {  	s0 =	sadd.s32 @!p0 $0x100000, s0  }
0x100: {  	[sflag:s0] =	ssyncadd.tile.s32 @!p0 $0x1;
	_ =	shalt  }
.Lfunc_end2:
_tile_overlayer_lowered:
.L_overlay_start_2:
0x101: {  	(tag) =	ssettag $0x2  }
0x102: {  	s0 =	rddreg [dreg:$0x0];
	s2 =	stileid.u32  }
0x103: {  	s1 =	rddreg [dreg:$0x1];
	p0 =	sne.s32 s2, $0x0  }
0x104: {  	s3 =	rddreg [dreg:$0x2];
	[bflag:$0x3] =	sbarrier.arrive $0xFFFF;
	s2 =	simm.s32 @!p0 $0x1C02  }
0x105: {  	[timem:s3], [sflag:s2] =	dma.local @!p0 [hbm:s0], s1  }
0x106: {  	s0 =	simm.s32 @!p0 $0x2  }
0x107: {  	_ =	swait.ge @!p0 [sflag:s0], s1  }
0x108: {  	s1 =	ssub.s32 @!p0 $0x0, s1;
	[sflag:s0] =	ssyncset.done @!p0 $0x0  }
0x109: {  	[sflag:s0] =	ssyncadd.s32 @!p0 s1  }
0x10a: {  	[bflag:$0x3] =	sbarrier.arrive $0xFFFF  }
0x10b: {  	_ =	shalt  }

</sc_bundles>
